<compile_context>
chip_gen: v7x
topology: tpu7x:2x2x1
jax: 0.10.2.dev20260603
libtpu: 0.0.44.dev20260713+nightly
codegen_flags: <defaults>
</compile_context>

<pallas_src>
import functools

import jax
import jax.numpy as jnp
from jax import lax
from jax.experimental import pallas as pl
from jax.experimental.pallas import tpu as pltpu
from jax.experimental.pallas import tpu_sc as plsc

N_NODES = 10000
N_EDGES = 320000
D = 128
FC_IN = 16

NC = 2
NS = 16
NW = NC * NS
EPW = N_EDGES // NW
B = 80
NBLK = EPW // B
RPT = N_NODES // NS


def _wmat_body(sT_ref, aT_ref, w_ref, o_ref):
    x = sT_ref[...] * aT_ref[...]
    o_ref[...] = jax.lax.dot_general(
        x, w_ref[...],
        dimension_numbers=(((0,), (0,)), ((), ())),
        preferred_element_type=jnp.float32,
    )


def _edge_weights(edge_scalars_t, edge_attr_t, fc_w_scaled):
    BE = 2560
    return pl.pallas_call(
        _wmat_body,
        grid=(N_EDGES // BE,),
        in_specs=[
            pl.BlockSpec((FC_IN, BE), lambda i: (0, i)),
            pl.BlockSpec((1, BE), lambda i: (0, i)),
            pl.BlockSpec((FC_IN, D), lambda i: (0, 0)),
        ],
        out_specs=pl.BlockSpec((BE, D), lambda i: (i, 0)),
        out_shape=jax.ShapeDtypeStruct((N_EDGES, D), jnp.float32),
    )(edge_scalars_t, edge_attr_t, fc_w_scaled)


IDEPTH = 4
XDEPTH = 2


def _sc_body(x_hbm, src_hbm, dst_hbm, w_hbm, zeros_hbm, out_hbm, *scratch):
    src_i = scratch[0:IDEPTH]
    dst_i = scratch[IDEPTH:2 * IDEPTH]
    x_v = scratch[2 * IDEPTH:2 * IDEPTH + XDEPTH]
    w_v = scratch[2 * IDEPTH + XDEPTH:2 * IDEPTH + 2 * XDEPTH]
    acc_sh = scratch[2 * IDEPTH + 2 * XDEPTH]
    isem = scratch[2 * IDEPTH + 2 * XDEPTH + 1:2 * IDEPTH + 2 * XDEPTH + 1 + IDEPTH]
    dsem = scratch[2 * IDEPTH + 2 * XDEPTH + 1 + IDEPTH:]

    c = lax.axis_index("c")
    s = lax.axis_index("s")
    wid = c * NS + s
    base = wid * EPW

    def issue_idx(i, b):
        off = base + i * B
        pltpu.async_copy(src_hbm.at[pl.ds(off, B)], src_i[b], isem[b])
        pltpu.async_copy(dst_hbm.at[pl.ds(off, B)], dst_i[b], isem[b])

    def wait_idx(b):
        pltpu.make_async_copy(src_hbm.at[pl.ds(0, B)], src_i[b], isem[b]).wait()
        pltpu.make_async_copy(dst_hbm.at[pl.ds(0, B)], dst_i[b], isem[b]).wait()

    def issue_data(i, ib, xb):
        pltpu.async_copy(x_hbm.at[src_i[ib]], x_v[xb], dsem[xb])
        pltpu.async_copy(w_hbm.at[pl.ds(base + i * B, B)], w_v[xb], dsem[xb])

    def wait_data(xb):
        pltpu.make_async_copy(x_hbm.at[pl.ds(0, B)], x_v[xb], dsem[xb]).wait()
        pltpu.make_async_copy(w_hbm.at[pl.ds(0, B)], w_v[xb], dsem[xb]).wait()

    pltpu.sync_copy(zeros_hbm.at[s], acc_sh.at[pl.ds(s * RPT, RPT)])

    for b in range(IDEPTH):
        issue_idx(b, b)
    for b in range(XDEPTH):
        wait_idx(b)
        issue_data(b, b, b)

    plsc.subcore_barrier()

    @pl.loop(0, NBLK, step=IDEPTH)
    def outer(g):
        for b in range(IDEPTH):
            i = g + b
            xb = b % XDEPTH

            @pl.when(i < NBLK)
            def _process():
                wait_data(xb)

                def mul_body(j, _):
                    for u in range(D // 16):
                        sl = pl.ds(u * 16, 16)
                        w_v[xb][j, sl] = w_v[xb][j, sl] * x_v[xb][j, sl]
                    return 0

                lax.fori_loop(0, B, mul_body, 0)
                pltpu.sync_copy(w_v[xb], acc_sh.at[dst_i[b]], add=True)

            @pl.when(i + XDEPTH < NBLK)
            def _next_data():
                wait_idx((b + XDEPTH) % IDEPTH)
                issue_data(i + XDEPTH, (b + XDEPTH) % IDEPTH, xb)

            @pl.when(i + IDEPTH < NBLK)
            def _next_idx():
                issue_idx(i + IDEPTH, b)

    plsc.subcore_barrier()
    pltpu.sync_copy(acc_sh.at[pl.ds(s * RPT, RPT)], out_hbm.at[c, s])


_sc_scatter = functools.partial(
    pl.kernel,
    out_type=pltpu.HBM((NC, NS, RPT, D), jnp.float32),
    mesh=plsc.VectorSubcoreMesh(core_axis_name="c", subcore_axis_name="s"),
    scratch_types=(
        [pltpu.VMEM((B,), jnp.int32) for _ in range(2 * IDEPTH)]
        + [pltpu.VMEM((B, D), jnp.float32) for _ in range(2 * XDEPTH)]
        + [pltpu.VMEM_SHARED((N_NODES, D), jnp.float32)]
        + [pltpu.SemaphoreType.DMA for _ in range(IDEPTH + XDEPTH)]
    ),
)(_sc_body)


def _red_body(p_ref, o_ref):
    o_ref[...] = p_ref[0] + p_ref[1]


def _reduce_partials(partials):
    out = pl.pallas_call(
        _red_body,
        grid=(NS,),
        in_specs=[pl.BlockSpec((NC, 1, RPT, D), lambda i: (0, i, 0, 0))],
        out_specs=pl.BlockSpec((1, RPT, D), lambda i: (i, 0, 0)),
        out_shape=jax.ShapeDtypeStruct((NS, RPT, D), jnp.float32),
    )(partials)
    return out.reshape(N_NODES, D)


def kernel(node_input, node_attr, edge_src, edge_dst, edge_attr, edge_scalars, fc_w):
    scale = 1.0 / (jnp.sqrt(jnp.float32(FC_IN)) * jnp.sqrt(jnp.float32(32.0)))
    w_all = _edge_weights(edge_scalars.T, edge_attr.T, fc_w * scale)
    zeros = jnp.zeros((NS, RPT, D), jnp.float32)
    partials = _sc_scatter(node_input, edge_src, edge_dst, w_all, zeros)
    return _reduce_partials(partials)

# --- scband reference (transcript-rebuilt; emitter-appended) ---
"""Pipeline reference for scband-convolutionv2106-custom-21586505630268 (READ-ONLY COPY).

The authoritative reference and input builder live on the scoring server;
editing this copy changes nothing except your own understanding.
"""

import jax, jax.numpy as jnp
import numpy as np

N_NODES = 10000
N_EDGES = 320000
D_FEAT = 128
FC_IN = 16
NUM_NEIGHBORS = 32


def setup_inputs(seed: int = 0) -> dict:
    key = jax.random.key(seed)
    ks = jax.random.split(key, 8)
    node_input = jax.random.normal(ks[0], (N_NODES, D_FEAT), dtype=jnp.float32)
    # irreps_node_attr is None -> node_attr is accepted by forward but unused
    node_attr = jnp.ones((N_NODES, 1), dtype=jnp.float32)
    edge_src = jax.random.randint(ks[1], (N_EDGES,), 0, N_NODES, dtype=jnp.int32)
    edge_dst = jax.random.randint(ks[2], (N_EDGES,), 0, N_NODES, dtype=jnp.int32)
    edge_attr = jax.random.normal(ks[3], (N_EDGES, 1), dtype=jnp.float32)
    edge_scalars = jax.random.normal(ks[4], (N_EDGES, FC_IN), dtype=jnp.float32)
    # FullyConnectedNet([16] + [tp.weight_numel=128]) -> single linear layer (last layer, no act),
    # e3nn initializes weights as standard normal
    fc_w = jax.random.normal(ks[5], (FC_IN, D_FEAT), dtype=jnp.float32)
    return {
        "node_input": node_input,
        "node_attr": node_attr,
        "edge_src": edge_src,
        "edge_dst": edge_dst,
        "edge_attr": edge_attr,
        "edge_scalars": edge_scalars,
        "fc_w": fc_w,
    }


def reference(node_input, node_attr, edge_src, edge_dst, edge_attr, edge_scalars, fc_w):
    # weight = self.fc(edge_scalars)
    # e3nn FullyConnectedNet last layer: x @ (W / sqrt(h_in)), no activation
    weight = edge_scalars @ (fc_w / jnp.sqrt(float(FC_IN)))  # [E, 128]
    # irreps_node_attr is None -> node_features = node_input (no sc / lin1)
    # TensorProduct 128x0e (x) 1x0e -> 128x0e, single 'uvu' instruction,
    # shared_weights=False: out[e, u] = x1[e, u] * x2[e, 0] * w[e, u] (path_weight = 1,
    # wigner 3j for 0e x 0e -> 0e is 1, fan-in over v is mul_in2 = 1)
    gathered = jnp.take(node_input, edge_src, axis=0)  # [E, 128]
    edge_features = gathered * edge_attr * weight  # [E, 128]
    # scatter_add over destination nodes, then divide by sqrt(num_neighbors)
    out = jax.ops.segment_sum(edge_features, edge_dst, num_segments=N_NODES)
    return out / jnp.sqrt(float(NUM_NEIGHBORS))

if __name__ == "__main__":
    import jax
    _d = setup_inputs()
    print(jax.jit(kernel)(*tuple(_d.values())))

</pallas_src>

<mosaic_0001>
#map = affine_map<(d0, d1) -> (0, 0)>
#map1 = affine_map<(d0, d1) -> (0)>
#map2 = affine_map<(d0, d1) -> (0, 0, 0)>
#map3 = affine_map<(d0, d1) -> (0, 0, 0, 0)>
module attributes {stable_mosaic.version = 14 : i64} {
  func.func @_sc_body(%arg0: i32, %arg1: i32, %arg2: memref<10000x128xf32, #tpu.memory_space<hbm>>, %arg3: memref<320000xi32, #tpu.memory_space<hbm>>, %arg4: memref<320000xi32, #tpu.memory_space<hbm>>, %arg5: memref<320000x128xf32, #tpu.memory_space<hbm>>, %arg6: memref<16x625x128xf32, #tpu.memory_space<hbm>>, %arg7: memref<2x16x625x128xf32, #tpu.memory_space<hbm>>, %arg8: memref<80xi32, #tpu.memory_space<vmem>>, %arg9: memref<80xi32, #tpu.memory_space<vmem>>, %arg10: memref<80xi32, #tpu.memory_space<vmem>>, %arg11: memref<80xi32, #tpu.memory_space<vmem>>, %arg12: memref<80xi32, #tpu.memory_space<vmem>>, %arg13: memref<80xi32, #tpu.memory_space<vmem>>, %arg14: memref<80xi32, #tpu.memory_space<vmem>>, %arg15: memref<80xi32, #tpu.memory_space<vmem>>, %arg16: memref<80x128xf32, #tpu.memory_space<vmem>>, %arg17: memref<80x128xf32, #tpu.memory_space<vmem>>, %arg18: memref<80x128xf32, #tpu.memory_space<vmem>>, %arg19: memref<80x128xf32, #tpu.memory_space<vmem>>, %arg20: memref<10000x128xf32, #tpu.memory_space<vmem_shared>>, %arg21: memref<!tpu.dma_semaphore, #tpu.memory_space<semaphore_mem>>, %arg22: memref<!tpu.dma_semaphore, #tpu.memory_space<semaphore_mem>>, %arg23: memref<!tpu.dma_semaphore, #tpu.memory_space<semaphore_mem>>, %arg24: memref<!tpu.dma_semaphore, #tpu.memory_space<semaphore_mem>>, %arg25: memref<!tpu.dma_semaphore, #tpu.memory_space<semaphore_mem>>, %arg26: memref<!tpu.dma_semaphore, #tpu.memory_space<semaphore_mem>>) attributes {dimension_semantics = [#tpu.dimension_semantics<core_parallel>, #tpu.dimension_semantics<subcore_parallel>], iteration_bounds = array<i64: 2, 16>, scalar_prefetch = 0 : i64, scratch_operands = 19 : i64, tpu.core_type = #tpu.core_type<sc_vector_subcore>, window_params = [{transform_indices = #map}, {transform_indices = #map1}, {transform_indices = #map1}, {transform_indices = #map}, {transform_indices = #map2}, {transform_indices = #map3}]} {
    %mul3A = arith.constant 16 : i32
    %mul3A_0 = arith.muli %arg0, %mul3A : i32
    %add3A = arith.addi %mul3A_0, %arg1 : i32
    %mul3A_1 = arith.constant 10000 : i32
    %mul3A_2 = arith.muli %add3A, %mul3A_1 : i32
    %mul3A_3 = arith.constant 625 : i32
    %mul3A_4 = arith.muli %arg1, %mul3A_3 : i32
    "tpu.region"() ({
      %run_scoped3A = tpu.sem_alloc : memref<!tpu.dma_semaphore, #tpu.memory_space<semaphore_mem>>
      %dma_start3A_68 = arith.constant 0 : i32
      %dma_start3A_69 = tpu.memref_slice %arg20[%mul3A_4, %dma_start3A_68] : memref<10000x128xf32, #tpu.memory_space<vmem_shared>> -> memref<625x128xf32, #tpu.memory_space<vmem_shared>>
      %dma_start3A_70 = arith.constant 0 : i32
      %dma_start3A_71 = arith.constant 0 : i32
      %dma_start3A_72 = tpu.memref_slice %arg6[%arg1, %dma_start3A_70, %dma_start3A_71] : memref<16x625x128xf32, #tpu.memory_space<hbm>> -> memref<1x625x128xf32, #tpu.memory_space<hbm>>
      %dma_start3A_73 = tpu.memref_squeeze %dma_start3A_72 : memref<1x625x128xf32, #tpu.memory_space<hbm>> -> memref<625x128xf32, #tpu.memory_space<hbm>>
      tpu.enqueue_dma source(%dma_start3A_73 : memref<625x128xf32, #tpu.memory_space<hbm>>) target(%dma_start3A_69 : memref<625x128xf32, #tpu.memory_space<vmem_shared>>) target_semaphore(%run_scoped3A : memref<!tpu.dma_semaphore, #tpu.memory_space<semaphore_mem>>)
      %dma_wait3A_74 = arith.constant 0 : i32
      %dma_wait3A_75 = tpu.memref_slice %arg20[%mul3A_4, %dma_wait3A_74] : memref<10000x128xf32, #tpu.memory_space<vmem_shared>> -> memref<625x128xf32, #tpu.memory_space<vmem_shared>>
      %dma_wait3A_76 = arith.constant 0 : i32
      %dma_wait3A_77 = arith.constant 0 : i32
      %dma_wait3A_78 = tpu.memref_slice %arg6[%arg1, %dma_wait3A_76, %dma_wait3A_77] : memref<16x625x128xf32, #tpu.memory_space<hbm>> -> memref<1x625x128xf32, #tpu.memory_space<hbm>>
      %dma_wait3A_79 = tpu.memref_squeeze %dma_wait3A_78 : memref<1x625x128xf32, #tpu.memory_space<hbm>> -> memref<625x128xf32, #tpu.memory_space<hbm>>
      tpu.wait_dma2 semaphore(%run_scoped3A : memref<!tpu.dma_semaphore, #tpu.memory_space<semaphore_mem>>) src(%dma_wait3A_79 : memref<625x128xf32, #tpu.memory_space<hbm>>) dst(%dma_wait3A_75 : memref<625x128xf32, #tpu.memory_space<vmem_shared>>)
      tpu.yield
    }) : () -> ()
    %add3A_5 = arith.constant 0 : i32
    %add3A_6 = arith.addi %mul3A_2, %add3A_5 : i32
    %dma_start3A = tpu.memref_slice %arg3[%add3A_6] : memref<320000xi32, #tpu.memory_space<hbm>> -> memref<80xi32, #tpu.memory_space<hbm>>
    %dma_start3A_7 = tpu.memref_slice %arg3[%add3A_6] : memref<320000xi32, #tpu.memory_space<hbm>> -> memref<80xi32, #tpu.memory_space<hbm>>
    tpu.enqueue_dma source(%dma_start3A_7 : memref<80xi32, #tpu.memory_space<hbm>>) target(%arg8 : memref<80xi32, #tpu.memory_space<vmem>>) target_semaphore(%arg21 : memref<!tpu.dma_semaphore, #tpu.memory_space<semaphore_mem>>)
    %dma_start3A_8 = tpu.memref_slice %arg4[%add3A_6] : memref<320000xi32, #tpu.memory_space<hbm>> -> memref<80xi32, #tpu.memory_space<hbm>>
    %dma_start3A_9 = tpu.memref_slice %arg4[%add3A_6] : memref<320000xi32, #tpu.memory_space<hbm>> -> memref<80xi32, #tpu.memory_space<hbm>>
    tpu.enqueue_dma source(%dma_start3A_9 : memref<80xi32, #tpu.memory_space<hbm>>) target(%arg12 : memref<80xi32, #tpu.memory_space<vmem>>) target_semaphore(%arg21 : memref<!tpu.dma_semaphore, #tpu.memory_space<semaphore_mem>>)
    %add3A_10 = arith.constant 80 : i32
    %add3A_11 = arith.addi %mul3A_2, %add3A_10 : i32
    %dma_start3A_12 = tpu.memref_slice %arg3[%add3A_11] : memref<320000xi32, #tpu.memory_space<hbm>> -> memref<80xi32, #tpu.memory_space<hbm>>
    %dma_start3A_13 = tpu.memref_slice %arg3[%add3A_11] : memref<320000xi32, #tpu.memory_space<hbm>> -> memref<80xi32, #tpu.memory_space<hbm>>
    tpu.enqueue_dma source(%dma_start3A_13 : memref<80xi32, #tpu.memory_space<hbm>>) target(%arg9 : memref<80xi32, #tpu.memory_space<vmem>>) target_semaphore(%arg22 : memref<!tpu.dma_semaphore, #tpu.memory_space<semaphore_mem>>)
    %dma_start3A_14 = tpu.memref_slice %arg4[%add3A_11] : memref<320000xi32, #tpu.memory_space<hbm>> -> memref<80xi32, #tpu.memory_space<hbm>>
    %dma_start3A_15 = tpu.memref_slice %arg4[%add3A_11] : memref<320000xi32, #tpu.memory_space<hbm>> -> memref<80xi32, #tpu.memory_space<hbm>>
    tpu.enqueue_dma source(%dma_start3A_15 : memref<80xi32, #tpu.memory_space<hbm>>) target(%arg13 : memref<80xi32, #tpu.memory_space<vmem>>) target_semaphore(%arg22 : memref<!tpu.dma_semaphore, #tpu.memory_space<semaphore_mem>>)
    %add3A_16 = arith.constant 160 : i32
    %add3A_17 = arith.addi %mul3A_2, %add3A_16 : i32
    %dma_start3A_18 = tpu.memref_slice %arg3[%add3A_17] : memref<320000xi32, #tpu.memory_space<hbm>> -> memref<80xi32, #tpu.memory_space<hbm>>
    %dma_start3A_19 = tpu.memref_slice %arg3[%add3A_17] : memref<320000xi32, #tpu.memory_space<hbm>> -> memref<80xi32, #tpu.memory_space<hbm>>
    tpu.enqueue_dma source(%dma_start3A_19 : memref<80xi32, #tpu.memory_space<hbm>>) target(%arg10 : memref<80xi32, #tpu.memory_space<vmem>>) target_semaphore(%arg23 : memref<!tpu.dma_semaphore, #tpu.memory_space<semaphore_mem>>)
    %dma_start3A_20 = tpu.memref_slice %arg4[%add3A_17] : memref<320000xi32, #tpu.memory_space<hbm>> -> memref<80xi32, #tpu.memory_space<hbm>>
    %dma_start3A_21 = tpu.memref_slice %arg4[%add3A_17] : memref<320000xi32, #tpu.memory_space<hbm>> -> memref<80xi32, #tpu.memory_space<hbm>>
    tpu.enqueue_dma source(%dma_start3A_21 : memref<80xi32, #tpu.memory_space<hbm>>) target(%arg14 : memref<80xi32, #tpu.memory_space<vmem>>) target_semaphore(%arg23 : memref<!tpu.dma_semaphore, #tpu.memory_space<semaphore_mem>>)
    %add3A_22 = arith.constant 240 : i32
    %add3A_23 = arith.addi %mul3A_2, %add3A_22 : i32
    %dma_start3A_24 = tpu.memref_slice %arg3[%add3A_23] : memref<320000xi32, #tpu.memory_space<hbm>> -> memref<80xi32, #tpu.memory_space<hbm>>
    %dma_start3A_25 = tpu.memref_slice %arg3[%add3A_23] : memref<320000xi32, #tpu.memory_space<hbm>> -> memref<80xi32, #tpu.memory_space<hbm>>
    tpu.enqueue_dma source(%dma_start3A_25 : memref<80xi32, #tpu.memory_space<hbm>>) target(%arg11 : memref<80xi32, #tpu.memory_space<vmem>>) target_semaphore(%arg24 : memref<!tpu.dma_semaphore, #tpu.memory_space<semaphore_mem>>)
    %dma_start3A_26 = tpu.memref_slice %arg4[%add3A_23] : memref<320000xi32, #tpu.memory_space<hbm>> -> memref<80xi32, #tpu.memory_space<hbm>>
    %dma_start3A_27 = tpu.memref_slice %arg4[%add3A_23] : memref<320000xi32, #tpu.memory_space<hbm>> -> memref<80xi32, #tpu.memory_space<hbm>>
    tpu.enqueue_dma source(%dma_start3A_27 : memref<80xi32, #tpu.memory_space<hbm>>) target(%arg15 : memref<80xi32, #tpu.memory_space<vmem>>) target_semaphore(%arg24 : memref<!tpu.dma_semaphore, #tpu.memory_space<semaphore_mem>>)
    %dma_wait3A = arith.constant 0 : i32
    %dma_wait3A_28 = tpu.memref_slice %arg3[%dma_wait3A] : memref<320000xi32, #tpu.memory_space<hbm>> -> memref<80xi32, #tpu.memory_space<hbm>>
    %dma_wait3A_29 = arith.constant 0 : i32
    %dma_wait3A_30 = tpu.memref_slice %arg3[%dma_wait3A_29] : memref<320000xi32, #tpu.memory_space<hbm>> -> memref<80xi32, #tpu.memory_space<hbm>>
    tpu.wait_dma2 semaphore(%arg21 : memref<!tpu.dma_semaphore, #tpu.memory_space<semaphore_mem>>) src(%dma_wait3A_30 : memref<80xi32, #tpu.memory_space<hbm>>) dst(%arg8 : memref<80xi32, #tpu.memory_space<vmem>>)
    %dma_wait3A_31 = arith.constant 0 : i32
    %dma_wait3A_32 = tpu.memref_slice %arg4[%dma_wait3A_31] : memref<320000xi32, #tpu.memory_space<hbm>> -> memref<80xi32, #tpu.memory_space<hbm>>
    %dma_wait3A_33 = arith.constant 0 : i32
    %dma_wait3A_34 = tpu.memref_slice %arg4[%dma_wait3A_33] : memref<320000xi32, #tpu.memory_space<hbm>> -> memref<80xi32, #tpu.memory_space<hbm>>
    tpu.wait_dma2 semaphore(%arg21 : memref<!tpu.dma_semaphore, #tpu.memory_space<semaphore_mem>>) src(%dma_wait3A_34 : memref<80xi32, #tpu.memory_space<hbm>>) dst(%arg12 : memref<80xi32, #tpu.memory_space<vmem>>)
    %dma_start3A_35 = arith.constant 0 : i32
    %dma_start3A_36 = arith.constant 0 : i32
    %dma_start3A_37 = tpu.memref_slice %arg2[%dma_start3A_35, %dma_start3A_36] : memref<10000x128xf32, #tpu.memory_space<hbm>> -> memref<10000x128xf32, #tpu.memory_space<hbm>>
    tpu.enqueue_indirect_dma source(%dma_start3A_37 : memref<10000x128xf32, #tpu.memory_space<hbm>>) target(%arg16 : memref<80x128xf32, #tpu.memory_space<vmem>>) offsets(%arg8 : memref<80xi32, #tpu.memory_space<vmem>>) semaphore(%arg25 : memref<!tpu.dma_semaphore, #tpu.memory_space<semaphore_mem>>)
    %add3A_38 = arith.constant 0 : i32
    %add3A_39 = arith.addi %mul3A_2, %add3A_38 : i32
    %dma_start3A_40 = arith.constant 0 : i32
    %dma_start3A_41 = tpu.memref_slice %arg5[%add3A_39, %dma_start3A_40] : memref<320000x128xf32, #tpu.memory_space<hbm>> -> memref<80x128xf32, #tpu.memory_space<hbm>>
    %dma_start3A_42 = arith.constant 0 : i32
    %dma_start3A_43 = tpu.memref_slice %arg5[%add3A_39, %dma_start3A_42] : memref<320000x128xf32, #tpu.memory_space<hbm>> -> memref<80x128xf32, #tpu.memory_space<hbm>>
    tpu.enqueue_dma source(%dma_start3A_43 : memref<80x128xf32, #tpu.memory_space<hbm>>) target(%arg18 : memref<80x128xf32, #tpu.memory_space<vmem>>) target_semaphore(%arg25 : memref<!tpu.dma_semaphore, #tpu.memory_space<semaphore_mem>>)
    %dma_wait3A_44 = arith.constant 0 : i32
    %dma_wait3A_45 = tpu.memref_slice %arg3[%dma_wait3A_44] : memref<320000xi32, #tpu.memory_space<hbm>> -> memref<80xi32, #tpu.memory_space<hbm>>
    %dma_wait3A_46 = arith.constant 0 : i32
    %dma_wait3A_47 = tpu.memref_slice %arg3[%dma_wait3A_46] : memref<320000xi32, #tpu.memory_space<hbm>> -> memref<80xi32, #tpu.memory_space<hbm>>
    tpu.wait_dma2 semaphore(%arg22 : memref<!tpu.dma_semaphore, #tpu.memory_space<semaphore_mem>>) src(%dma_wait3A_47 : memref<80xi32, #tpu.memory_space<hbm>>) dst(%arg9 : memref<80xi32, #tpu.memory_space<vmem>>)
    %dma_wait3A_48 = arith.constant 0 : i32
    %dma_wait3A_49 = tpu.memref_slice %arg4[%dma_wait3A_48] : memref<320000xi32, #tpu.memory_space<hbm>> -> memref<80xi32, #tpu.memory_space<hbm>>
    %dma_wait3A_50 = arith.constant 0 : i32
    %dma_wait3A_51 = tpu.memref_slice %arg4[%dma_wait3A_50] : memref<320000xi32, #tpu.memory_space<hbm>> -> memref<80xi32, #tpu.memory_space<hbm>>
    tpu.wait_dma2 semaphore(%arg22 : memref<!tpu.dma_semaphore, #tpu.memory_space<semaphore_mem>>) src(%dma_wait3A_51 : memref<80xi32, #tpu.memory_space<hbm>>) dst(%arg13 : memref<80xi32, #tpu.memory_space<vmem>>)
    %dma_start3A_52 = arith.constant 0 : i32
    %dma_start3A_53 = arith.constant 0 : i32
    %dma_start3A_54 = tpu.memref_slice %arg2[%dma_start3A_52, %dma_start3A_53] : memref<10000x128xf32, #tpu.memory_space<hbm>> -> memref<10000x128xf32, #tpu.memory_space<hbm>>
    tpu.enqueue_indirect_dma source(%dma_start3A_54 : memref<10000x128xf32, #tpu.memory_space<hbm>>) target(%arg17 : memref<80x128xf32, #tpu.memory_space<vmem>>) offsets(%arg9 : memref<80xi32, #tpu.memory_space<vmem>>) semaphore(%arg26 : memref<!tpu.dma_semaphore, #tpu.memory_space<semaphore_mem>>)
    %add3A_55 = arith.constant 80 : i32
    %add3A_56 = arith.addi %mul3A_2, %add3A_55 : i32
    %dma_start3A_57 = arith.constant 0 : i32
    %dma_start3A_58 = tpu.memref_slice %arg5[%add3A_56, %dma_start3A_57] : memref<320000x128xf32, #tpu.memory_space<hbm>> -> memref<80x128xf32, #tpu.memory_space<hbm>>
    %dma_start3A_59 = arith.constant 0 : i32
    %dma_start3A_60 = tpu.memref_slice %arg5[%add3A_56, %dma_start3A_59] : memref<320000x128xf32, #tpu.memory_space<hbm>> -> memref<80x128xf32, #tpu.memory_space<hbm>>
    tpu.enqueue_dma source(%dma_start3A_60 : memref<80x128xf32, #tpu.memory_space<hbm>>) target(%arg19 : memref<80x128xf32, #tpu.memory_space<vmem>>) target_semaphore(%arg26 : memref<!tpu.dma_semaphore, #tpu.memory_space<semaphore_mem>>)
    %barrier3A = arith.constant 0 : index
    tpu.barrier barrier_id(%barrier3A)
    %scan3A = arith.constant 0 : i32
    %scan3A_61 = arith.constant 32 : i32
    %scan3A_62 = arith.addi %scan3A, %scan3A_61 : i32
    %scan3A_63 = arith.constant 1 : i32
    scf.for %scan3A_68 = %scan3A to %scan3A_62 step %scan3A_63  : i32 {
      %mul3A_69 = arith.constant 4 : i32
      %mul3A_70 = arith.muli %scan3A_68, %mul3A_69 : i32
      %add3A_71 = arith.constant 0 : i32
      %add3A_72 = arith.addi %add3A_71, %mul3A_70 : i32
      %add3A_73 = arith.constant 0 : i32
      %add3A_74 = arith.addi %add3A_72, %add3A_73 : i32
      %lt3A = arith.constant 125 : i32
      %lt3A_75 = arith.cmpi slt, %add3A_74, %lt3A : i32
      %convert_element_type3A = arith.extui %lt3A_75 : i1 to i32
      %cond3A = arith.constant 0 : i32
      %cond3A_76 = arith.cmpi ne, %convert_element_type3A, %cond3A : i32
      scf.if %cond3A_76 {
        %dma_wait3A_154 = arith.constant 0 : i32
        %dma_wait3A_155 = arith.constant 0 : i32
        %dma_wait3A_156 = tpu.memref_slice %arg2[%dma_wait3A_154, %dma_wait3A_155] : memref<10000x128xf32, #tpu.memory_space<hbm>> -> memref<80x128xf32, #tpu.memory_space<hbm>>
        %dma_wait3A_157 = arith.constant 0 : i32
        %dma_wait3A_158 = arith.constant 0 : i32
        %dma_wait3A_159 = tpu.memref_slice %arg2[%dma_wait3A_157, %dma_wait3A_158] : memref<10000x128xf32, #tpu.memory_space<hbm>> -> memref<80x128xf32, #tpu.memory_space<hbm>>
        tpu.wait_dma2 semaphore(%arg25 : memref<!tpu.dma_semaphore, #tpu.memory_space<semaphore_mem>>) src(%dma_wait3A_159 : memref<80x128xf32, #tpu.memory_space<hbm>>) dst(%arg16 : memref<80x128xf32, #tpu.memory_space<vmem>>)
        %dma_wait3A_160 = arith.constant 0 : i32
        %dma_wait3A_161 = arith.constant 0 : i32
        %dma_wait3A_162 = tpu.memref_slice %arg5[%dma_wait3A_160, %dma_wait3A_161] : memref<320000x128xf32, #tpu.memory_space<hbm>> -> memref<80x128xf32, #tpu.memory_space<hbm>>
        %dma_wait3A_163 = arith.constant 0 : i32
        %dma_wait3A_164 = arith.constant 0 : i32
        %dma_wait3A_165 = tpu.memref_slice %arg5[%dma_wait3A_163, %dma_wait3A_164] : memref<320000x128xf32, #tpu.memory_space<hbm>> -> memref<80x128xf32, #tpu.memory_space<hbm>>
        tpu.wait_dma2 semaphore(%arg25 : memref<!tpu.dma_semaphore, #tpu.memory_space<semaphore_mem>>) src(%dma_wait3A_165 : memref<80x128xf32, #tpu.memory_space<hbm>>) dst(%arg18 : memref<80x128xf32, #tpu.memory_space<vmem>>)
        %scan3A_166 = arith.constant 0 : i32
        %scan3A_167 = arith.constant 0 : i32
        %scan3A_168 = arith.constant 80 : i32
        %scan3A_169 = arith.addi %scan3A_167, %scan3A_168 : i32
        %scan3A_170 = arith.constant 1 : i32
        %scan3A_171 = scf.for %scan3A_173 = %scan3A_167 to %scan3A_169 step %scan3A_170 iter_args(%scan3A_174 = %scan3A_166) -> (i32)  : i32 {
          %get3A = arith.index_cast %scan3A_173 : i32 to index
          %get3A_175 = arith.constant 0 : index
          %get3A_176 = tpu.vector_load %arg18[%get3A, %get3A_175] {strides = array<i32>} : memref<80x128xf32, #tpu.memory_space<vmem>>, vector<1x16xf32>,
          %get3A_177 = vector.shape_cast %get3A_176 : vector<1x16xf32> to vector<16xf32>
          %get3A_178 = arith.index_cast %scan3A_173 : i32 to index
          %get3A_179 = arith.constant 0 : index
          %get3A_180 = tpu.vector_load %arg16[%get3A_178, %get3A_179] {strides = array<i32>} : memref<80x128xf32, #tpu.memory_space<vmem>>, vector<1x16xf32>,
          %get3A_181 = vector.shape_cast %get3A_180 : vector<1x16xf32> to vector<16xf32>
          %mul3A_182 = arith.mulf %get3A_177, %get3A_181 : vector<16xf32>
          %swap3A = arith.index_cast %scan3A_173 : i32 to index
          %swap3A_183 = arith.constant 0 : index
          %swap3A_184 = tpu.vector_load %arg18[%swap3A, %swap3A_183] {strides = array<i32>} : memref<80x128xf32, #tpu.memory_space<vmem>>, vector<1x16xf32>,
          %swap3A_185 = vector.shape_cast %swap3A_184 : vector<1x16xf32> to vector<16xf32>
          %swap3A_186 = vector.shape_cast %mul3A_182 : vector<16xf32> to vector<1x16xf32>
          tpu.vector_store %arg18[%swap3A, %swap3A_183], %swap3A_186 {strides = array<i32>} : memref<80x128xf32, #tpu.memory_space<vmem>>, vector<1x16xf32>,
          %get3A_187 = arith.index_cast %scan3A_173 : i32 to index
          %get3A_188 = arith.constant 16 : index
          %get3A_189 = tpu.vector_load %arg18[%get3A_187, %get3A_188] {strides = array<i32>} : memref<80x128xf32, #tpu.memory_space<vmem>>, vector<1x16xf32>,
          %get3A_190 = vector.shape_cast %get3A_189 : vector<1x16xf32> to vector<16xf32>
          %get3A_191 = arith.index_cast %scan3A_173 : i32 to index
          %get3A_192 = arith.constant 16 : index
          %get3A_193 = tpu.vector_load %arg16[%get3A_191, %get3A_192] {strides = array<i32>} : memref<80x128xf32, #tpu.memory_space<vmem>>, vector<1x16xf32>,
          %get3A_194 = vector.shape_cast %get3A_193 : vector<1x16xf32> to vector<16xf32>
          %mul3A_195 = arith.mulf %get3A_190, %get3A_194 : vector<16xf32>
          %swap3A_196 = arith.index_cast %scan3A_173 : i32 to index
          %swap3A_197 = arith.constant 16 : index
          %swap3A_198 = tpu.vector_load %arg18[%swap3A_196, %swap3A_197] {strides = array<i32>} : memref<80x128xf32, #tpu.memory_space<vmem>>, vector<1x16xf32>,
          %swap3A_199 = vector.shape_cast %swap3A_198 : vector<1x16xf32> to vector<16xf32>
          %swap3A_200 = vector.shape_cast %mul3A_195 : vector<16xf32> to vector<1x16xf32>
          tpu.vector_store %arg18[%swap3A_196, %swap3A_197], %swap3A_200 {strides = array<i32>} : memref<80x128xf32, #tpu.memory_space<vmem>>, vector<1x16xf32>,
          %get3A_201 = arith.index_cast %scan3A_173 : i32 to index
          %get3A_202 = arith.constant 32 : index
          %get3A_203 = tpu.vector_load %arg18[%get3A_201, %get3A_202] {strides = array<i32>} : memref<80x128xf32, #tpu.memory_space<vmem>>, vector<1x16xf32>,
          %get3A_204 = vector.shape_cast %get3A_203 : vector<1x16xf32> to vector<16xf32>
          %get3A_205 = arith.index_cast %scan3A_173 : i32 to index
          %get3A_206 = arith.constant 32 : index
          %get3A_207 = tpu.vector_load %arg16[%get3A_205, %get3A_206] {strides = array<i32>} : memref<80x128xf32, #tpu.memory_space<vmem>>, vector<1x16xf32>,
          %get3A_208 = vector.shape_cast %get3A_207 : vector<1x16xf32> to vector<16xf32>
          %mul3A_209 = arith.mulf %get3A_204, %get3A_208 : vector<16xf32>
          %swap3A_210 = arith.index_cast %scan3A_173 : i32 to index
          %swap3A_211 = arith.constant 32 : index
          %swap3A_212 = tpu.vector_load %arg18[%swap3A_210, %swap3A_211] {strides = array<i32>} : memref<80x128xf32, #tpu.memory_space<vmem>>, vector<1x16xf32>,
          %swap3A_213 = vector.shape_cast %swap3A_212 : vector<1x16xf32> to vector<16xf32>
          %swap3A_214 = vector.shape_cast %mul3A_209 : vector<16xf32> to vector<1x16xf32>
          tpu.vector_store %arg18[%swap3A_210, %swap3A_211], %swap3A_214 {strides = array<i32>} : memref<80x128xf32, #tpu.memory_space<vmem>>, vector<1x16xf32>,
          %get3A_215 = arith.index_cast %scan3A_173 : i32 to index
          %get3A_216 = arith.constant 48 : index
          %get3A_217 = tpu.vector_load %arg18[%get3A_215, %get3A_216] {strides = array<i32>} : memref<80x128xf32, #tpu.memory_space<vmem>>, vector<1x16xf32>,
          %get3A_218 = vector.shape_cast %get3A_217 : vector<1x16xf32> to vector<16xf32>
          %get3A_219 = arith.index_cast %scan3A_173 : i32 to index
          %get3A_220 = arith.constant 48 : index
          %get3A_221 = tpu.vector_load %arg16[%get3A_219, %get3A_220] {strides = array<i32>} : memref<80x128xf32, #tpu.memory_space<vmem>>, vector<1x16xf32>,
          %get3A_222 = vector.shape_cast %get3A_221 : vector<1x16xf32> to vector<16xf32>
          %mul3A_223 = arith.mulf %get3A_218, %get3A_222 : vector<16xf32>
          %swap3A_224 = arith.index_cast %scan3A_173 : i32 to index
          %swap3A_225 = arith.constant 48 : index
          %swap3A_226 = tpu.vector_load %arg18[%swap3A_224, %swap3A_225] {strides = array<i32>} : memref<80x128xf32, #tpu.memory_space<vmem>>, vector<1x16xf32>,
          %swap3A_227 = vector.shape_cast %swap3A_226 : vector<1x16xf32> to vector<16xf32>
          %swap3A_228 = vector.shape_cast %mul3A_223 : vector<16xf32> to vector<1x16xf32>
          tpu.vector_store %arg18[%swap3A_224, %swap3A_225], %swap3A_228 {strides = array<i32>} : memref<80x128xf32, #tpu.memory_space<vmem>>, vector<1x16xf32>,
          %get3A_229 = arith.index_cast %scan3A_173 : i32 to index
          %get3A_230 = arith.constant 64 : index
          %get3A_231 = tpu.vector_load %arg18[%get3A_229, %get3A_230] {strides = array<i32>} : memref<80x128xf32, #tpu.memory_space<vmem>>, vector<1x16xf32>,
          %get3A_232 = vector.shape_cast %get3A_231 : vector<1x16xf32> to vector<16xf32>
          %get3A_233 = arith.index_cast %scan3A_173 : i32 to index
          %get3A_234 = arith.constant 64 : index
          %get3A_235 = tpu.vector_load %arg16[%get3A_233, %get3A_234] {strides = array<i32>} : memref<80x128xf32, #tpu.memory_space<vmem>>, vector<1x16xf32>,
          %get3A_236 = vector.shape_cast %get3A_235 : vector<1x16xf32> to vector<16xf32>
          %mul3A_237 = arith.mulf %get3A_232, %get3A_236 : vector<16xf32>
          %swap3A_238 = arith.index_cast %scan3A_173 : i32 to index
          %swap3A_239 = arith.constant 64 : index
          %swap3A_240 = tpu.vector_load %arg18[%swap3A_238, %swap3A_239] {strides = array<i32>} : memref<80x128xf32, #tpu.memory_space<vmem>>, vector<1x16xf32>,
          %swap3A_241 = vector.shape_cast %swap3A_240 : vector<1x16xf32> to vector<16xf32>
          %swap3A_242 = vector.shape_cast %mul3A_237 : vector<16xf32> to vector<1x16xf32>
          tpu.vector_store %arg18[%swap3A_238, %swap3A_239], %swap3A_242 {strides = array<i32>} : memref<80x128xf32, #tpu.memory_space<vmem>>, vector<1x16xf32>,
          %get3A_243 = arith.index_cast %scan3A_173 : i32 to index
          %get3A_244 = arith.constant 80 : index
          %get3A_245 = tpu.vector_load %arg18[%get3A_243, %get3A_244] {strides = array<i32>} : memref<80x128xf32, #tpu.memory_space<vmem>>, vector<1x16xf32>,
          %get3A_246 = vector.shape_cast %get3A_245 : vector<1x16xf32> to vector<16xf32>
          %get3A_247 = arith.index_cast %scan3A_173 : i32 to index
          %get3A_248 = arith.constant 80 : index
          %get3A_249 = tpu.vector_load %arg16[%get3A_247, %get3A_248] {strides = array<i32>} : memref<80x128xf32, #tpu.memory_space<vmem>>, vector<1x16xf32>,
          %get3A_250 = vector.shape_cast %get3A_249 : vector<1x16xf32> to vector<16xf32>
          %mul3A_251 = arith.mulf %get3A_246, %get3A_250 : vector<16xf32>
          %swap3A_252 = arith.index_cast %scan3A_173 : i32 to index
          %swap3A_253 = arith.constant 80 : index
          %swap3A_254 = tpu.vector_load %arg18[%swap3A_252, %swap3A_253] {strides = array<i32>} : memref<80x128xf32, #tpu.memory_space<vmem>>, vector<1x16xf32>,
          %swap3A_255 = vector.shape_cast %swap3A_254 : vector<1x16xf32> to vector<16xf32>
          %swap3A_256 = vector.shape_cast %mul3A_251 : vector<16xf32> to vector<1x16xf32>
          tpu.vector_store %arg18[%swap3A_252, %swap3A_253], %swap3A_256 {strides = array<i32>} : memref<80x128xf32, #tpu.memory_space<vmem>>, vector<1x16xf32>,
          %get3A_257 = arith.index_cast %scan3A_173 : i32 to index
          %get3A_258 = arith.constant 96 : index
          %get3A_259 = tpu.vector_load %arg18[%get3A_257, %get3A_258] {strides = array<i32>} : memref<80x128xf32, #tpu.memory_space<vmem>>, vector<1x16xf32>,
          %get3A_260 = vector.shape_cast %get3A_259 : vector<1x16xf32> to vector<16xf32>
          %get3A_261 = arith.index_cast %scan3A_173 : i32 to index
          %get3A_262 = arith.constant 96 : index
          %get3A_263 = tpu.vector_load %arg16[%get3A_261, %get3A_262] {strides = array<i32>} : memref<80x128xf32, #tpu.memory_space<vmem>>, vector<1x16xf32>,
          %get3A_264 = vector.shape_cast %get3A_263 : vector<1x16xf32> to vector<16xf32>
          %mul3A_265 = arith.mulf %get3A_260, %get3A_264 : vector<16xf32>
          %swap3A_266 = arith.index_cast %scan3A_173 : i32 to index
          %swap3A_267 = arith.constant 96 : index
          %swap3A_268 = tpu.vector_load %arg18[%swap3A_266, %swap3A_267] {strides = array<i32>} : memref<80x128xf32, #tpu.memory_space<vmem>>, vector<1x16xf32>,
          %swap3A_269 = vector.shape_cast %swap3A_268 : vector<1x16xf32> to vector<16xf32>
          %swap3A_270 = vector.shape_cast %mul3A_265 : vector<16xf32> to vector<1x16xf32>
          tpu.vector_store %arg18[%swap3A_266, %swap3A_267], %swap3A_270 {strides = array<i32>} : memref<80x128xf32, #tpu.memory_space<vmem>>, vector<1x16xf32>,
          %get3A_271 = arith.index_cast %scan3A_173 : i32 to index
          %get3A_272 = arith.constant 112 : index
          %get3A_273 = tpu.vector_load %arg18[%get3A_271, %get3A_272] {strides = array<i32>} : memref<80x128xf32, #tpu.memory_space<vmem>>, vector<1x16xf32>,
          %get3A_274 = vector.shape_cast %get3A_273 : vector<1x16xf32> to vector<16xf32>
          %get3A_275 = arith.index_cast %scan3A_173 : i32 to index
          %get3A_276 = arith.constant 112 : index
          %get3A_277 = tpu.vector_load %arg16[%get3A_275, %get3A_276] {strides = array<i32>} : memref<80x128xf32, #tpu.memory_space<vmem>>, vector<1x16xf32>,
          %get3A_278 = vector.shape_cast %get3A_277 : vector<1x16xf32> to vector<16xf32>
          %mul3A_279 = arith.mulf %get3A_274, %get3A_278 : vector<16xf32>
          %swap3A_280 = arith.index_cast %scan3A_173 : i32 to index
          %swap3A_281 = arith.constant 112 : index
          %swap3A_282 = tpu.vector_load %arg18[%swap3A_280, %swap3A_281] {strides = array<i32>} : memref<80x128xf32, #tpu.memory_space<vmem>>, vector<1x16xf32>,
          %swap3A_283 = vector.shape_cast %swap3A_282 : vector<1x16xf32> to vector<16xf32>
          %swap3A_284 = vector.shape_cast %mul3A_279 : vector<16xf32> to vector<1x16xf32>
          tpu.vector_store %arg18[%swap3A_280, %swap3A_281], %swap3A_284 {strides = array<i32>} : memref<80x128xf32, #tpu.memory_space<vmem>>, vector<1x16xf32>,
          %scan3A_285 = arith.constant 0 : i32
          scf.yield %scan3A_285 : i32
        }
        %scan3A_172 = arith.constant 80 : i32
        "tpu.region"() ({
          %run_scoped3A = tpu.sem_alloc : memref<!tpu.dma_semaphore, #tpu.memory_space<semaphore_mem>>
          %dma_start3A_173 = arith.constant 0 : i32
          %dma_start3A_174 = arith.constant 0 : i32
          %dma_start3A_175 = tpu.memref_slice %arg20[%dma_start3A_173, %dma_start3A_174] : memref<10000x128xf32, #tpu.memory_space<vmem_shared>> -> memref<10000x128xf32, #tpu.memory_space<vmem_shared>>
          tpu.enqueue_indirect_dma source(%arg18 : memref<80x128xf32, #tpu.memory_space<vmem>>) target(%dma_start3A_175 : memref<10000x128xf32, #tpu.memory_space<vmem_shared>>) offsets(%arg12 : memref<80xi32, #tpu.memory_space<vmem>>) semaphore(%run_scoped3A : memref<!tpu.dma_semaphore, #tpu.memory_space<semaphore_mem>>) {add = true}
          %dma_wait3A_176 = arith.constant 0 : i32
          %dma_wait3A_177 = arith.constant 0 : i32
          %dma_wait3A_178 = tpu.memref_slice %arg20[%dma_wait3A_176, %dma_wait3A_177] : memref<10000x128xf32, #tpu.memory_space<vmem_shared>> -> memref<10000x128xf32, #tpu.memory_space<vmem_shared>>
          tpu.wait_indirect_dma semaphore(%run_scoped3A : memref<!tpu.dma_semaphore, #tpu.memory_space<semaphore_mem>>) src(%arg18 : memref<80x128xf32, #tpu.memory_space<vmem>>) dst(%dma_wait3A_178 : memref<10000x128xf32, #tpu.memory_space<vmem_shared>>)
          tpu.yield
        }) : () -> ()
      } else {
      }
      %add3A_77 = arith.constant 2 : i32
      %add3A_78 = arith.addi %add3A_74, %add3A_77 : i32
      %lt3A_79 = arith.constant 125 : i32
      %lt3A_80 = arith.cmpi slt, %add3A_78, %lt3A_79 : i32
      %convert_element_type3A_81 = arith.extui %lt3A_80 : i1 to i32
      %cond3A_82 = arith.constant 0 : i32
      %cond3A_83 = arith.cmpi ne, %convert_element_type3A_81, %cond3A_82 : i32
      scf.if %cond3A_83 {
        %dma_wait3A_154 = arith.constant 0 : i32
        %dma_wait3A_155 = tpu.memref_slice %arg3[%dma_wait3A_154] : memref<320000xi32, #tpu.memory_space<hbm>> -> memref<80xi32, #tpu.memory_space<hbm>>
        %dma_wait3A_156 = arith.constant 0 : i32
        %dma_wait3A_157 = tpu.memref_slice %arg3[%dma_wait3A_156] : memref<320000xi32, #tpu.memory_space<hbm>> -> memref<80xi32, #tpu.memory_space<hbm>>
        tpu.wait_dma2 semaphore(%arg23 : memref<!tpu.dma_semaphore, #tpu.memory_space<semaphore_mem>>) src(%dma_wait3A_157 : memref<80xi32, #tpu.memory_space<hbm>>) dst(%arg10 : memref<80xi32, #tpu.memory_space<vmem>>)
        %dma_wait3A_158 = arith.constant 0 : i32
        %dma_wait3A_159 = tpu.memref_slice %arg4[%dma_wait3A_158] : memref<320000xi32, #tpu.memory_space<hbm>> -> memref<80xi32, #tpu.memory_space<hbm>>
        %dma_wait3A_160 = arith.constant 0 : i32
        %dma_wait3A_161 = tpu.memref_slice %arg4[%dma_wait3A_160] : memref<320000xi32, #tpu.memory_space<hbm>> -> memref<80xi32, #tpu.memory_space<hbm>>
        tpu.wait_dma2 semaphore(%arg23 : memref<!tpu.dma_semaphore, #tpu.memory_space<semaphore_mem>>) src(%dma_wait3A_161 : memref<80xi32, #tpu.memory_space<hbm>>) dst(%arg14 : memref<80xi32, #tpu.memory_space<vmem>>)
        %add3A_162 = arith.constant 2 : i32
        %add3A_163 = arith.addi %add3A_74, %add3A_162 : i32
        %dma_start3A_164 = arith.constant 0 : i32
        %dma_start3A_165 = arith.constant 0 : i32
        %dma_start3A_166 = tpu.memref_slice %arg2[%dma_start3A_164, %dma_start3A_165] : memref<10000x128xf32, #tpu.memory_space<hbm>> -> memref<10000x128xf32, #tpu.memory_space<hbm>>
        tpu.enqueue_indirect_dma source(%dma_start3A_166 : memref<10000x128xf32, #tpu.memory_space<hbm>>) target(%arg16 : memref<80x128xf32, #tpu.memory_space<vmem>>) offsets(%arg10 : memref<80xi32, #tpu.memory_space<vmem>>) semaphore(%arg25 : memref<!tpu.dma_semaphore, #tpu.memory_space<semaphore_mem>>)
        %mul3A_167 = arith.constant 80 : i32
        %mul3A_168 = arith.muli %add3A_163, %mul3A_167 : i32
        %add3A_169 = arith.addi %mul3A_2, %mul3A_168 : i32
        %dma_start3A_170 = arith.constant 0 : i32
        %dma_start3A_171 = tpu.memref_slice %arg5[%add3A_169, %dma_start3A_170] : memref<320000x128xf32, #tpu.memory_space<hbm>> -> memref<80x128xf32, #tpu.memory_space<hbm>>
        %dma_start3A_172 = arith.constant 0 : i32
        %dma_start3A_173 = tpu.memref_slice %arg5[%add3A_169, %dma_start3A_172] : memref<320000x128xf32, #tpu.memory_space<hbm>> -> memref<80x128xf32, #tpu.memory_space<hbm>>
        tpu.enqueue_dma source(%dma_start3A_173 : memref<80x128xf32, #tpu.memory_space<hbm>>) target(%arg18 : memref<80x128xf32, #tpu.memory_space<vmem>>) target_semaphore(%arg25 : memref<!tpu.dma_semaphore, #tpu.memory_space<semaphore_mem>>)
      } else {
      }
      %add3A_84 = arith.constant 4 : i32
      %add3A_85 = arith.addi %add3A_74, %add3A_84 : i32
      %lt3A_86 = arith.constant 125 : i32
      %lt3A_87 = arith.cmpi slt, %add3A_85, %lt3A_86 : i32
      %convert_element_type3A_88 = arith.extui %lt3A_87 : i1 to i32
      %cond3A_89 = arith.constant 0 : i32
      %cond3A_90 = arith.cmpi ne, %convert_element_type3A_88, %cond3A_89 : i32
      scf.if %cond3A_90 {
        %add3A_154 = arith.constant 4 : i32
        %add3A_155 = arith.addi %add3A_74, %add3A_154 : i32
        %mul3A_156 = arith.constant 80 : i32
        %mul3A_157 = arith.muli %add3A_155, %mul3A_156 : i32
        %add3A_158 = arith.addi %mul3A_2, %mul3A_157 : i32
        %dma_start3A_159 = tpu.memref_slice %arg3[%add3A_158] : memref<320000xi32, #tpu.memory_space<hbm>> -> memref<80xi32, #tpu.memory_space<hbm>>
        %dma_start3A_160 = tpu.memref_slice %arg3[%add3A_158] : memref<320000xi32, #tpu.memory_space<hbm>> -> memref<80xi32, #tpu.memory_space<hbm>>
        tpu.enqueue_dma source(%dma_start3A_160 : memref<80xi32, #tpu.memory_space<hbm>>) target(%arg8 : memref<80xi32, #tpu.memory_space<vmem>>) target_semaphore(%arg21 : memref<!tpu.dma_semaphore, #tpu.memory_space<semaphore_mem>>)
        %dma_start3A_161 = tpu.memref_slice %arg4[%add3A_158] : memref<320000xi32, #tpu.memory_space<hbm>> -> memref<80xi32, #tpu.memory_space<hbm>>
        %dma_start3A_162 = tpu.memref_slice %arg4[%add3A_158] : memref<320000xi32, #tpu.memory_space<hbm>> -> memref<80xi32, #tpu.memory_space<hbm>>
        tpu.enqueue_dma source(%dma_start3A_162 : memref<80xi32, #tpu.memory_space<hbm>>) target(%arg12 : memref<80xi32, #tpu.memory_space<vmem>>) target_semaphore(%arg21 : memref<!tpu.dma_semaphore, #tpu.memory_space<semaphore_mem>>)
      } else {
      }
      %add3A_91 = arith.constant 1 : i32
      %add3A_92 = arith.addi %add3A_72, %add3A_91 : i32
      %lt3A_93 = arith.constant 125 : i32
      %lt3A_94 = arith.cmpi slt, %add3A_92, %lt3A_93 : i32
      %convert_element_type3A_95 = arith.extui %lt3A_94 : i1 to i32
      %cond3A_96 = arith.constant 0 : i32
      %cond3A_97 = arith.cmpi ne, %convert_element_type3A_95, %cond3A_96 : i32
      scf.if %cond3A_97 {
        %dma_wait3A_154 = arith.constant 0 : i32
        %dma_wait3A_155 = arith.constant 0 : i32
        %dma_wait3A_156 = tpu.memref_slice %arg2[%dma_wait3A_154, %dma_wait3A_155] : memref<10000x128xf32, #tpu.memory_space<hbm>> -> memref<80x128xf32, #tpu.memory_space<hbm>>
        %dma_wait3A_157 = arith.constant 0 : i32
        %dma_wait3A_158 = arith.constant 0 : i32
        %dma_wait3A_159 = tpu.memref_slice %arg2[%dma_wait3A_157, %dma_wait3A_158] : memref<10000x128xf32, #tpu.memory_space<hbm>> -> memref<80x128xf32, #tpu.memory_space<hbm>>
        tpu.wait_dma2 semaphore(%arg26 : memref<!tpu.dma_semaphore, #tpu.memory_space<semaphore_mem>>) src(%dma_wait3A_159 : memref<80x128xf32, #tpu.memory_space<hbm>>) dst(%arg17 : memref<80x128xf32, #tpu.memory_space<vmem>>)
        %dma_wait3A_160 = arith.constant 0 : i32
        %dma_wait3A_161 = arith.constant 0 : i32
        %dma_wait3A_162 = tpu.memref_slice %arg5[%dma_wait3A_160, %dma_wait3A_161] : memref<320000x128xf32, #tpu.memory_space<hbm>> -> memref<80x128xf32, #tpu.memory_space<hbm>>
        %dma_wait3A_163 = arith.constant 0 : i32
        %dma_wait3A_164 = arith.constant 0 : i32
        %dma_wait3A_165 = tpu.memref_slice %arg5[%dma_wait3A_163, %dma_wait3A_164] : memref<320000x128xf32, #tpu.memory_space<hbm>> -> memref<80x128xf32, #tpu.memory_space<hbm>>
        tpu.wait_dma2 semaphore(%arg26 : memref<!tpu.dma_semaphore, #tpu.memory_space<semaphore_mem>>) src(%dma_wait3A_165 : memref<80x128xf32, #tpu.memory_space<hbm>>) dst(%arg19 : memref<80x128xf32, #tpu.memory_space<vmem>>)
        %scan3A_166 = arith.constant 0 : i32
        %scan3A_167 = arith.constant 0 : i32
        %scan3A_168 = arith.constant 80 : i32
        %scan3A_169 = arith.addi %scan3A_167, %scan3A_168 : i32
        %scan3A_170 = arith.constant 1 : i32
        %scan3A_171 = scf.for %scan3A_173 = %scan3A_167 to %scan3A_169 step %scan3A_170 iter_args(%scan3A_174 = %scan3A_166) -> (i32)  : i32 {
          %get3A = arith.index_cast %scan3A_173 : i32 to index
          %get3A_175 = arith.constant 0 : index
          %get3A_176 = tpu.vector_load %arg19[%get3A, %get3A_175] {strides = array<i32>} : memref<80x128xf32, #tpu.memory_space<vmem>>, vector<1x16xf32>,
          %get3A_177 = vector.shape_cast %get3A_176 : vector<1x16xf32> to vector<16xf32>
          %get3A_178 = arith.index_cast %scan3A_173 : i32 to index
          %get3A_179 = arith.constant 0 : index
          %get3A_180 = tpu.vector_load %arg17[%get3A_178, %get3A_179] {strides = array<i32>} : memref<80x128xf32, #tpu.memory_space<vmem>>, vector<1x16xf32>,
          %get3A_181 = vector.shape_cast %get3A_180 : vector<1x16xf32> to vector<16xf32>
          %mul3A_182 = arith.mulf %get3A_177, %get3A_181 : vector<16xf32>
          %swap3A = arith.index_cast %scan3A_173 : i32 to index
          %swap3A_183 = arith.constant 0 : index
          %swap3A_184 = tpu.vector_load %arg19[%swap3A, %swap3A_183] {strides = array<i32>} : memref<80x128xf32, #tpu.memory_space<vmem>>, vector<1x16xf32>,
          %swap3A_185 = vector.shape_cast %swap3A_184 : vector<1x16xf32> to vector<16xf32>
          %swap3A_186 = vector.shape_cast %mul3A_182 : vector<16xf32> to vector<1x16xf32>
          tpu.vector_store %arg19[%swap3A, %swap3A_183], %swap3A_186 {strides = array<i32>} : memref<80x128xf32, #tpu.memory_space<vmem>>, vector<1x16xf32>,
          %get3A_187 = arith.index_cast %scan3A_173 : i32 to index
          %get3A_188 = arith.constant 16 : index
          %get3A_189 = tpu.vector_load %arg19[%get3A_187, %get3A_188] {strides = array<i32>} : memref<80x128xf32, #tpu.memory_space<vmem>>, vector<1x16xf32>,
          %get3A_190 = vector.shape_cast %get3A_189 : vector<1x16xf32> to vector<16xf32>
          %get3A_191 = arith.index_cast %scan3A_173 : i32 to index
          %get3A_192 = arith.constant 16 : index
          %get3A_193 = tpu.vector_load %arg17[%get3A_191, %get3A_192] {strides = array<i32>} : memref<80x128xf32, #tpu.memory_space<vmem>>, vector<1x16xf32>,
          %get3A_194 = vector.shape_cast %get3A_193 : vector<1x16xf32> to vector<16xf32>
          %mul3A_195 = arith.mulf %get3A_190, %get3A_194 : vector<16xf32>
          %swap3A_196 = arith.index_cast %scan3A_173 : i32 to index
          %swap3A_197 = arith.constant 16 : index
          %swap3A_198 = tpu.vector_load %arg19[%swap3A_196, %swap3A_197] {strides = array<i32>} : memref<80x128xf32, #tpu.memory_space<vmem>>, vector<1x16xf32>,
          %swap3A_199 = vector.shape_cast %swap3A_198 : vector<1x16xf32> to vector<16xf32>
          %swap3A_200 = vector.shape_cast %mul3A_195 : vector<16xf32> to vector<1x16xf32>
          tpu.vector_store %arg19[%swap3A_196, %swap3A_197], %swap3A_200 {strides = array<i32>} : memref<80x128xf32, #tpu.memory_space<vmem>>, vector<1x16xf32>,
          %get3A_201 = arith.index_cast %scan3A_173 : i32 to index
          %get3A_202 = arith.constant 32 : index
          %get3A_203 = tpu.vector_load %arg19[%get3A_201, %get3A_202] {strides = array<i32>} : memref<80x128xf32, #tpu.memory_space<vmem>>, vector<1x16xf32>,
          %get3A_204 = vector.shape_cast %get3A_203 : vector<1x16xf32> to vector<16xf32>
          %get3A_205 = arith.index_cast %scan3A_173 : i32 to index
          %get3A_206 = arith.constant 32 : index
          %get3A_207 = tpu.vector_load %arg17[%get3A_205, %get3A_206] {strides = array<i32>} : memref<80x128xf32, #tpu.memory_space<vmem>>, vector<1x16xf32>,
          %get3A_208 = vector.shape_cast %get3A_207 : vector<1x16xf32> to vector<16xf32>
          %mul3A_209 = arith.mulf %get3A_204, %get3A_208 : vector<16xf32>
          %swap3A_210 = arith.index_cast %scan3A_173 : i32 to index
          %swap3A_211 = arith.constant 32 : index
          %swap3A_212 = tpu.vector_load %arg19[%swap3A_210, %swap3A_211] {strides = array<i32>} : memref<80x128xf32, #tpu.memory_space<vmem>>, vector<1x16xf32>,
          %swap3A_213 = vector.shape_cast %swap3A_212 : vector<1x16xf32> to vector<16xf32>
          %swap3A_214 = vector.shape_cast %mul3A_209 : vector<16xf32> to vector<1x16xf32>
          tpu.vector_store %arg19[%swap3A_210, %swap3A_211], %swap3A_214 {strides = array<i32>} : memref<80x128xf32, #tpu.memory_space<vmem>>, vector<1x16xf32>,
          %get3A_215 = arith.index_cast %scan3A_173 : i32 to index
          %get3A_216 = arith.constant 48 : index
          %get3A_217 = tpu.vector_load %arg19[%get3A_215, %get3A_216] {strides = array<i32>} : memref<80x128xf32, #tpu.memory_space<vmem>>, vector<1x16xf32>,
          %get3A_218 = vector.shape_cast %get3A_217 : vector<1x16xf32> to vector<16xf32>
          %get3A_219 = arith.index_cast %scan3A_173 : i32 to index
          %get3A_220 = arith.constant 48 : index
          %get3A_221 = tpu.vector_load %arg17[%get3A_219, %get3A_220] {strides = array<i32>} : memref<80x128xf32, #tpu.memory_space<vmem>>, vector<1x16xf32>,
          %get3A_222 = vector.shape_cast %get3A_221 : vector<1x16xf32> to vector<16xf32>
          %mul3A_223 = arith.mulf %get3A_218, %get3A_222 : vector<16xf32>
          %swap3A_224 = arith.index_cast %scan3A_173 : i32 to index
          %swap3A_225 = arith.constant 48 : index
          %swap3A_226 = tpu.vector_load %arg19[%swap3A_224, %swap3A_225] {strides = array<i32>} : memref<80x128xf32, #tpu.memory_space<vmem>>, vector<1x16xf32>,
          %swap3A_227 = vector.shape_cast %swap3A_226 : vector<1x16xf32> to vector<16xf32>
          %swap3A_228 = vector.shape_cast %mul3A_223 : vector<16xf32> to vector<1x16xf32>
          tpu.vector_store %arg19[%swap3A_224, %swap3A_225], %swap3A_228 {strides = array<i32>} : memref<80x128xf32, #tpu.memory_space<vmem>>, vector<1x16xf32>,
          %get3A_229 = arith.index_cast %scan3A_173 : i32 to index
          %get3A_230 = arith.constant 64 : index
          %get3A_231 = tpu.vector_load %arg19[%get3A_229, %get3A_230] {strides = array<i32>} : memref<80x128xf32, #tpu.memory_space<vmem>>, vector<1x16xf32>,
          %get3A_232 = vector.shape_cast %get3A_231 : vector<1x16xf32> to vector<16xf32>
          %get3A_233 = arith.index_cast %scan3A_173 : i32 to index
          %get3A_234 = arith.constant 64 : index
          %get3A_235 = tpu.vector_load %arg17[%get3A_233, %get3A_234] {strides = array<i32>} : memref<80x128xf32, #tpu.memory_space<vmem>>, vector<1x16xf32>,
          %get3A_236 = vector.shape_cast %get3A_235 : vector<1x16xf32> to vector<16xf32>
          %mul3A_237 = arith.mulf %get3A_232, %get3A_236 : vector<16xf32>
          %swap3A_238 = arith.index_cast %scan3A_173 : i32 to index
          %swap3A_239 = arith.constant 64 : index
          %swap3A_240 = tpu.vector_load %arg19[%swap3A_238, %swap3A_239] {strides = array<i32>} : memref<80x128xf32, #tpu.memory_space<vmem>>, vector<1x16xf32>,
          %swap3A_241 = vector.shape_cast %swap3A_240 : vector<1x16xf32> to vector<16xf32>
          %swap3A_242 = vector.shape_cast %mul3A_237 : vector<16xf32> to vector<1x16xf32>
          tpu.vector_store %arg19[%swap3A_238, %swap3A_239], %swap3A_242 {strides = array<i32>} : memref<80x128xf32, #tpu.memory_space<vmem>>, vector<1x16xf32>,
          %get3A_243 = arith.index_cast %scan3A_173 : i32 to index
          %get3A_244 = arith.constant 80 : index
          %get3A_245 = tpu.vector_load %arg19[%get3A_243, %get3A_244] {strides = array<i32>} : memref<80x128xf32, #tpu.memory_space<vmem>>, vector<1x16xf32>,
          %get3A_246 = vector.shape_cast %get3A_245 : vector<1x16xf32> to vector<16xf32>
          %get3A_247 = arith.index_cast %scan3A_173 : i32 to index
          %get3A_248 = arith.constant 80 : index
          %get3A_249 = tpu.vector_load %arg17[%get3A_247, %get3A_248] {strides = array<i32>} : memref<80x128xf32, #tpu.memory_space<vmem>>, vector<1x16xf32>,
          %get3A_250 = vector.shape_cast %get3A_249 : vector<1x16xf32> to vector<16xf32>
          %mul3A_251 = arith.mulf %get3A_246, %get3A_250 : vector<16xf32>
          %swap3A_252 = arith.index_cast %scan3A_173 : i32 to index
          %swap3A_253 = arith.constant 80 : index
          %swap3A_254 = tpu.vector_load %arg19[%swap3A_252, %swap3A_253] {strides = array<i32>} : memref<80x128xf32, #tpu.memory_space<vmem>>, vector<1x16xf32>,
          %swap3A_255 = vector.shape_cast %swap3A_254 : vector<1x16xf32> to vector<16xf32>
          %swap3A_256 = vector.shape_cast %mul3A_251 : vector<16xf32> to vector<1x16xf32>
          tpu.vector_store %arg19[%swap3A_252, %swap3A_253], %swap3A_256 {strides = array<i32>} : memref<80x128xf32, #tpu.memory_space<vmem>>, vector<1x16xf32>,
          %get3A_257 = arith.index_cast %scan3A_173 : i32 to index
          %get3A_258 = arith.constant 96 : index
          %get3A_259 = tpu.vector_load %arg19[%get3A_257, %get3A_258] {strides = array<i32>} : memref<80x128xf32, #tpu.memory_space<vmem>>, vector<1x16xf32>,
          %get3A_260 = vector.shape_cast %get3A_259 : vector<1x16xf32> to vector<16xf32>
          %get3A_261 = arith.index_cast %scan3A_173 : i32 to index
          %get3A_262 = arith.constant 96 : index
          %get3A_263 = tpu.vector_load %arg17[%get3A_261, %get3A_262] {strides = array<i32>} : memref<80x128xf32, #tpu.memory_space<vmem>>, vector<1x16xf32>,
          %get3A_264 = vector.shape_cast %get3A_263 : vector<1x16xf32> to vector<16xf32>
          %mul3A_265 = arith.mulf %get3A_260, %get3A_264 : vector<16xf32>
          %swap3A_266 = arith.index_cast %scan3A_173 : i32 to index
          %swap3A_267 = arith.constant 96 : index
          %swap3A_268 = tpu.vector_load %arg19[%swap3A_266, %swap3A_267] {strides = array<i32>} : memref<80x128xf32, #tpu.memory_space<vmem>>, vector<1x16xf32>,
          %swap3A_269 = vector.shape_cast %swap3A_268 : vector<1x16xf32> to vector<16xf32>
          %swap3A_270 = vector.shape_cast %mul3A_265 : vector<16xf32> to vector<1x16xf32>
          tpu.vector_store %arg19[%swap3A_266, %swap3A_267], %swap3A_270 {strides = array<i32>} : memref<80x128xf32, #tpu.memory_space<vmem>>, vector<1x16xf32>,
          %get3A_271 = arith.index_cast %scan3A_173 : i32 to index
          %get3A_272 = arith.constant 112 : index
          %get3A_273 = tpu.vector_load %arg19[%get3A_271, %get3A_272] {strides = array<i32>} : memref<80x128xf32, #tpu.memory_space<vmem>>, vector<1x16xf32>,
          %get3A_274 = vector.shape_cast %get3A_273 : vector<1x16xf32> to vector<16xf32>
          %get3A_275 = arith.index_cast %scan3A_173 : i32 to index
          %get3A_276 = arith.constant 112 : index
          %get3A_277 = tpu.vector_load %arg17[%get3A_275, %get3A_276] {strides = array<i32>} : memref<80x128xf32, #tpu.memory_space<vmem>>, vector<1x16xf32>,
          %get3A_278 = vector.shape_cast %get3A_277 : vector<1x16xf32> to vector<16xf32>
          %mul3A_279 = arith.mulf %get3A_274, %get3A_278 : vector<16xf32>
          %swap3A_280 = arith.index_cast %scan3A_173 : i32 to index
          %swap3A_281 = arith.constant 112 : index
          %swap3A_282 = tpu.vector_load %arg19[%swap3A_280, %swap3A_281] {strides = array<i32>} : memref<80x128xf32, #tpu.memory_space<vmem>>, vector<1x16xf32>,
          %swap3A_283 = vector.shape_cast %swap3A_282 : vector<1x16xf32> to vector<16xf32>
          %swap3A_284 = vector.shape_cast %mul3A_279 : vector<16xf32> to vector<1x16xf32>
          tpu.vector_store %arg19[%swap3A_280, %swap3A_281], %swap3A_284 {strides = array<i32>} : memref<80x128xf32, #tpu.memory_space<vmem>>, vector<1x16xf32>,
          %scan3A_285 = arith.constant 0 : i32
          scf.yield %scan3A_285 : i32
        }
        %scan3A_172 = arith.constant 80 : i32
        "tpu.region"() ({
          %run_scoped3A = tpu.sem_alloc : memref<!tpu.dma_semaphore, #tpu.memory_space<semaphore_mem>>
          %dma_start3A_173 = arith.constant 0 : i32
          %dma_start3A_174 = arith.constant 0 : i32
          %dma_start3A_175 = tpu.memref_slice %arg20[%dma_start3A_173, %dma_start3A_174] : memref<10000x128xf32, #tpu.memory_space<vmem_shared>> -> memref<10000x128xf32, #tpu.memory_space<vmem_shared>>
          tpu.enqueue_indirect_dma source(%arg19 : memref<80x128xf32, #tpu.memory_space<vmem>>) target(%dma_start3A_175 : memref<10000x128xf32, #tpu.memory_space<vmem_shared>>) offsets(%arg13 : memref<80xi32, #tpu.memory_space<vmem>>) semaphore(%run_scoped3A : memref<!tpu.dma_semaphore, #tpu.memory_space<semaphore_mem>>) {add = true}
          %dma_wait3A_176 = arith.constant 0 : i32
          %dma_wait3A_177 = arith.constant 0 : i32
          %dma_wait3A_178 = tpu.memref_slice %arg20[%dma_wait3A_176, %dma_wait3A_177] : memref<10000x128xf32, #tpu.memory_space<vmem_shared>> -> memref<10000x128xf32, #tpu.memory_space<vmem_shared>>
          tpu.wait_indirect_dma semaphore(%run_scoped3A : memref<!tpu.dma_semaphore, #tpu.memory_space<semaphore_mem>>) src(%arg19 : memref<80x128xf32, #tpu.memory_space<vmem>>) dst(%dma_wait3A_178 : memref<10000x128xf32, #tpu.memory_space<vmem_shared>>)
          tpu.yield
        }) : () -> ()
      } else {
      }
      %add3A_98 = arith.constant 2 : i32
      %add3A_99 = arith.addi %add3A_92, %add3A_98 : i32
      %lt3A_100 = arith.constant 125 : i32
      %lt3A_101 = arith.cmpi slt, %add3A_99, %lt3A_100 : i32
      %convert_element_type3A_102 = arith.extui %lt3A_101 : i1 to i32
      %cond3A_103 = arith.constant 0 : i32
      %cond3A_104 = arith.cmpi ne, %convert_element_type3A_102, %cond3A_103 : i32
      scf.if %cond3A_104 {
        %dma_wait3A_154 = arith.constant 0 : i32
        %dma_wait3A_155 = tpu.memref_slice %arg3[%dma_wait3A_154] : memref<320000xi32, #tpu.memory_space<hbm>> -> memref<80xi32, #tpu.memory_space<hbm>>
        %dma_wait3A_156 = arith.constant 0 : i32
        %dma_wait3A_157 = tpu.memref_slice %arg3[%dma_wait3A_156] : memref<320000xi32, #tpu.memory_space<hbm>> -> memref<80xi32, #tpu.memory_space<hbm>>
        tpu.wait_dma2 semaphore(%arg24 : memref<!tpu.dma_semaphore, #tpu.memory_space<semaphore_mem>>) src(%dma_wait3A_157 : memref<80xi32, #tpu.memory_space<hbm>>) dst(%arg11 : memref<80xi32, #tpu.memory_space<vmem>>)
        %dma_wait3A_158 = arith.constant 0 : i32
        %dma_wait3A_159 = tpu.memref_slice %arg4[%dma_wait3A_158] : memref<320000xi32, #tpu.memory_space<hbm>> -> memref<80xi32, #tpu.memory_space<hbm>>
        %dma_wait3A_160 = arith.constant 0 : i32
        %dma_wait3A_161 = tpu.memref_slice %arg4[%dma_wait3A_160] : memref<320000xi32, #tpu.memory_space<hbm>> -> memref<80xi32, #tpu.memory_space<hbm>>
        tpu.wait_dma2 semaphore(%arg24 : memref<!tpu.dma_semaphore, #tpu.memory_space<semaphore_mem>>) src(%dma_wait3A_161 : memref<80xi32, #tpu.memory_space<hbm>>) dst(%arg15 : memref<80xi32, #tpu.memory_space<vmem>>)
        %add3A_162 = arith.constant 2 : i32
        %add3A_163 = arith.addi %add3A_92, %add3A_162 : i32
        %dma_start3A_164 = arith.constant 0 : i32
        %dma_start3A_165 = arith.constant 0 : i32
        %dma_start3A_166 = tpu.memref_slice %arg2[%dma_start3A_164, %dma_start3A_165] : memref<10000x128xf32, #tpu.memory_space<hbm>> -> memref<10000x128xf32, #tpu.memory_space<hbm>>
        tpu.enqueue_indirect_dma source(%dma_start3A_166 : memref<10000x128xf32, #tpu.memory_space<hbm>>) target(%arg17 : memref<80x128xf32, #tpu.memory_space<vmem>>) offsets(%arg11 : memref<80xi32, #tpu.memory_space<vmem>>) semaphore(%arg26 : memref<!tpu.dma_semaphore, #tpu.memory_space<semaphore_mem>>)
        %mul3A_167 = arith.constant 80 : i32
        %mul3A_168 = arith.muli %add3A_163, %mul3A_167 : i32
        %add3A_169 = arith.addi %mul3A_2, %mul3A_168 : i32
        %dma_start3A_170 = arith.constant 0 : i32
        %dma_start3A_171 = tpu.memref_slice %arg5[%add3A_169, %dma_start3A_170] : memref<320000x128xf32, #tpu.memory_space<hbm>> -> memref<80x128xf32, #tpu.memory_space<hbm>>
        %dma_start3A_172 = arith.constant 0 : i32
        %dma_start3A_173 = tpu.memref_slice %arg5[%add3A_169, %dma_start3A_172] : memref<320000x128xf32, #tpu.memory_space<hbm>> -> memref<80x128xf32, #tpu.memory_space<hbm>>
        tpu.enqueue_dma source(%dma_start3A_173 : memref<80x128xf32, #tpu.memory_space<hbm>>) target(%arg19 : memref<80x128xf32, #tpu.memory_space<vmem>>) target_semaphore(%arg26 : memref<!tpu.dma_semaphore, #tpu.memory_space<semaphore_mem>>)
      } else {
      }
      %add3A_105 = arith.constant 4 : i32
      %add3A_106 = arith.addi %add3A_92, %add3A_105 : i32
      %lt3A_107 = arith.constant 125 : i32
      %lt3A_108 = arith.cmpi slt, %add3A_106, %lt3A_107 : i32
      %convert_element_type3A_109 = arith.extui %lt3A_108 : i1 to i32
      %cond3A_110 = arith.constant 0 : i32
      %cond3A_111 = arith.cmpi ne, %convert_element_type3A_109, %cond3A_110 : i32
      scf.if %cond3A_111 {
        %add3A_154 = arith.constant 4 : i32
        %add3A_155 = arith.addi %add3A_92, %add3A_154 : i32
        %mul3A_156 = arith.constant 80 : i32
        %mul3A_157 = arith.muli %add3A_155, %mul3A_156 : i32
        %add3A_158 = arith.addi %mul3A_2, %mul3A_157 : i32
        %dma_start3A_159 = tpu.memref_slice %arg3[%add3A_158] : memref<320000xi32, #tpu.memory_space<hbm>> -> memref<80xi32, #tpu.memory_space<hbm>>
        %dma_start3A_160 = tpu.memref_slice %arg3[%add3A_158] : memref<320000xi32, #tpu.memory_space<hbm>> -> memref<80xi32, #tpu.memory_space<hbm>>
        tpu.enqueue_dma source(%dma_start3A_160 : memref<80xi32, #tpu.memory_space<hbm>>) target(%arg9 : memref<80xi32, #tpu.memory_space<vmem>>) target_semaphore(%arg22 : memref<!tpu.dma_semaphore, #tpu.memory_space<semaphore_mem>>)
        %dma_start3A_161 = tpu.memref_slice %arg4[%add3A_158] : memref<320000xi32, #tpu.memory_space<hbm>> -> memref<80xi32, #tpu.memory_space<hbm>>
        %dma_start3A_162 = tpu.memref_slice %arg4[%add3A_158] : memref<320000xi32, #tpu.memory_space<hbm>> -> memref<80xi32, #tpu.memory_space<hbm>>
        tpu.enqueue_dma source(%dma_start3A_162 : memref<80xi32, #tpu.memory_space<hbm>>) target(%arg13 : memref<80xi32, #tpu.memory_space<vmem>>) target_semaphore(%arg22 : memref<!tpu.dma_semaphore, #tpu.memory_space<semaphore_mem>>)
      } else {
      }
      %add3A_112 = arith.constant 2 : i32
      %add3A_113 = arith.addi %add3A_72, %add3A_112 : i32
      %lt3A_114 = arith.constant 125 : i32
      %lt3A_115 = arith.cmpi slt, %add3A_113, %lt3A_114 : i32
      %convert_element_type3A_116 = arith.extui %lt3A_115 : i1 to i32
      %cond3A_117 = arith.constant 0 : i32
      %cond3A_118 = arith.cmpi ne, %convert_element_type3A_116, %cond3A_117 : i32
      scf.if %cond3A_118 {
        %dma_wait3A_154 = arith.constant 0 : i32
        %dma_wait3A_155 = arith.constant 0 : i32
        %dma_wait3A_156 = tpu.memref_slice %arg2[%dma_wait3A_154, %dma_wait3A_155] : memref<10000x128xf32, #tpu.memory_space<hbm>> -> memref<80x128xf32, #tpu.memory_space<hbm>>
        %dma_wait3A_157 = arith.constant 0 : i32
        %dma_wait3A_158 = arith.constant 0 : i32
        %dma_wait3A_159 = tpu.memref_slice %arg2[%dma_wait3A_157, %dma_wait3A_158] : memref<10000x128xf32, #tpu.memory_space<hbm>> -> memref<80x128xf32, #tpu.memory_space<hbm>>
        tpu.wait_dma2 semaphore(%arg25 : memref<!tpu.dma_semaphore, #tpu.memory_space<semaphore_mem>>) src(%dma_wait3A_159 : memref<80x128xf32, #tpu.memory_space<hbm>>) dst(%arg16 : memref<80x128xf32, #tpu.memory_space<vmem>>)
        %dma_wait3A_160 = arith.constant 0 : i32
        %dma_wait3A_161 = arith.constant 0 : i32
        %dma_wait3A_162 = tpu.memref_slice %arg5[%dma_wait3A_160, %dma_wait3A_161] : memref<320000x128xf32, #tpu.memory_space<hbm>> -> memref<80x128xf32, #tpu.memory_space<hbm>>
        %dma_wait3A_163 = arith.constant 0 : i32
        %dma_wait3A_164 = arith.constant 0 : i32
        %dma_wait3A_165 = tpu.memref_slice %arg5[%dma_wait3A_163, %dma_wait3A_164] : memref<320000x128xf32, #tpu.memory_space<hbm>> -> memref<80x128xf32, #tpu.memory_space<hbm>>
        tpu.wait_dma2 semaphore(%arg25 : memref<!tpu.dma_semaphore, #tpu.memory_space<semaphore_mem>>) src(%dma_wait3A_165 : memref<80x128xf32, #tpu.memory_space<hbm>>) dst(%arg18 : memref<80x128xf32, #tpu.memory_space<vmem>>)
        %scan3A_166 = arith.constant 0 : i32
        %scan3A_167 = arith.constant 0 : i32
        %scan3A_168 = arith.constant 80 : i32
        %scan3A_169 = arith.addi %scan3A_167, %scan3A_168 : i32
        %scan3A_170 = arith.constant 1 : i32
        %scan3A_171 = scf.for %scan3A_173 = %scan3A_167 to %scan3A_169 step %scan3A_170 iter_args(%scan3A_174 = %scan3A_166) -> (i32)  : i32 {
          %get3A = arith.index_cast %scan3A_173 : i32 to index
          %get3A_175 = arith.constant 0 : index
          %get3A_176 = tpu.vector_load %arg18[%get3A, %get3A_175] {strides = array<i32>} : memref<80x128xf32, #tpu.memory_space<vmem>>, vector<1x16xf32>,
          %get3A_177 = vector.shape_cast %get3A_176 : vector<1x16xf32> to vector<16xf32>
          %get3A_178 = arith.index_cast %scan3A_173 : i32 to index
          %get3A_179 = arith.constant 0 : index
          %get3A_180 = tpu.vector_load %arg16[%get3A_178, %get3A_179] {strides = array<i32>} : memref<80x128xf32, #tpu.memory_space<vmem>>, vector<1x16xf32>,
          %get3A_181 = vector.shape_cast %get3A_180 : vector<1x16xf32> to vector<16xf32>
          %mul3A_182 = arith.mulf %get3A_177, %get3A_181 : vector<16xf32>
          %swap3A = arith.index_cast %scan3A_173 : i32 to index
          %swap3A_183 = arith.constant 0 : index
          %swap3A_184 = tpu.vector_load %arg18[%swap3A, %swap3A_183] {strides = array<i32>} : memref<80x128xf32, #tpu.memory_space<vmem>>, vector<1x16xf32>,
          %swap3A_185 = vector.shape_cast %swap3A_184 : vector<1x16xf32> to vector<16xf32>
          %swap3A_186 = vector.shape_cast %mul3A_182 : vector<16xf32> to vector<1x16xf32>
          tpu.vector_store %arg18[%swap3A, %swap3A_183], %swap3A_186 {strides = array<i32>} : memref<80x128xf32, #tpu.memory_space<vmem>>, vector<1x16xf32>,
          %get3A_187 = arith.index_cast %scan3A_173 : i32 to index
          %get3A_188 = arith.constant 16 : index
          %get3A_189 = tpu.vector_load %arg18[%get3A_187, %get3A_188] {strides = array<i32>} : memref<80x128xf32, #tpu.memory_space<vmem>>, vector<1x16xf32>,
          %get3A_190 = vector.shape_cast %get3A_189 : vector<1x16xf32> to vector<16xf32>
          %get3A_191 = arith.index_cast %scan3A_173 : i32 to index
          %get3A_192 = arith.constant 16 : index
          %get3A_193 = tpu.vector_load %arg16[%get3A_191, %get3A_192] {strides = array<i32>} : memref<80x128xf32, #tpu.memory_space<vmem>>, vector<1x16xf32>,
          %get3A_194 = vector.shape_cast %get3A_193 : vector<1x16xf32> to vector<16xf32>
          %mul3A_195 = arith.mulf %get3A_190, %get3A_194 : vector<16xf32>
          %swap3A_196 = arith.index_cast %scan3A_173 : i32 to index
          %swap3A_197 = arith.constant 16 : index
          %swap3A_198 = tpu.vector_load %arg18[%swap3A_196, %swap3A_197] {strides = array<i32>} : memref<80x128xf32, #tpu.memory_space<vmem>>, vector<1x16xf32>,
          %swap3A_199 = vector.shape_cast %swap3A_198 : vector<1x16xf32> to vector<16xf32>
          %swap3A_200 = vector.shape_cast %mul3A_195 : vector<16xf32> to vector<1x16xf32>
          tpu.vector_store %arg18[%swap3A_196, %swap3A_197], %swap3A_200 {strides = array<i32>} : memref<80x128xf32, #tpu.memory_space<vmem>>, vector<1x16xf32>,
          %get3A_201 = arith.index_cast %scan3A_173 : i32 to index
          %get3A_202 = arith.constant 32 : index
          %get3A_203 = tpu.vector_load %arg18[%get3A_201, %get3A_202] {strides = array<i32>} : memref<80x128xf32, #tpu.memory_space<vmem>>, vector<1x16xf32>,
          %get3A_204 = vector.shape_cast %get3A_203 : vector<1x16xf32> to vector<16xf32>
          %get3A_205 = arith.index_cast %scan3A_173 : i32 to index
          %get3A_206 = arith.constant 32 : index
          %get3A_207 = tpu.vector_load %arg16[%get3A_205, %get3A_206] {strides = array<i32>} : memref<80x128xf32, #tpu.memory_space<vmem>>, vector<1x16xf32>,
          %get3A_208 = vector.shape_cast %get3A_207 : vector<1x16xf32> to vector<16xf32>
          %mul3A_209 = arith.mulf %get3A_204, %get3A_208 : vector<16xf32>
          %swap3A_210 = arith.index_cast %scan3A_173 : i32 to index
          %swap3A_211 = arith.constant 32 : index
          %swap3A_212 = tpu.vector_load %arg18[%swap3A_210, %swap3A_211] {strides = array<i32>} : memref<80x128xf32, #tpu.memory_space<vmem>>, vector<1x16xf32>,
          %swap3A_213 = vector.shape_cast %swap3A_212 : vector<1x16xf32> to vector<16xf32>
          %swap3A_214 = vector.shape_cast %mul3A_209 : vector<16xf32> to vector<1x16xf32>
          tpu.vector_store %arg18[%swap3A_210, %swap3A_211], %swap3A_214 {strides = array<i32>} : memref<80x128xf32, #tpu.memory_space<vmem>>, vector<1x16xf32>,
          %get3A_215 = arith.index_cast %scan3A_173 : i32 to index
          %get3A_216 = arith.constant 48 : index
          %get3A_217 = tpu.vector_load %arg18[%get3A_215, %get3A_216] {strides = array<i32>} : memref<80x128xf32, #tpu.memory_space<vmem>>, vector<1x16xf32>,
          %get3A_218 = vector.shape_cast %get3A_217 : vector<1x16xf32> to vector<16xf32>
          %get3A_219 = arith.index_cast %scan3A_173 : i32 to index
          %get3A_220 = arith.constant 48 : index
          %get3A_221 = tpu.vector_load %arg16[%get3A_219, %get3A_220] {strides = array<i32>} : memref<80x128xf32, #tpu.memory_space<vmem>>, vector<1x16xf32>,
          %get3A_222 = vector.shape_cast %get3A_221 : vector<1x16xf32> to vector<16xf32>
          %mul3A_223 = arith.mulf %get3A_218, %get3A_222 : vector<16xf32>
          %swap3A_224 = arith.index_cast %scan3A_173 : i32 to index
          %swap3A_225 = arith.constant 48 : index
          %swap3A_226 = tpu.vector_load %arg18[%swap3A_224, %swap3A_225] {strides = array<i32>} : memref<80x128xf32, #tpu.memory_space<vmem>>, vector<1x16xf32>,
          %swap3A_227 = vector.shape_cast %swap3A_226 : vector<1x16xf32> to vector<16xf32>
          %swap3A_228 = vector.shape_cast %mul3A_223 : vector<16xf32> to vector<1x16xf32>
          tpu.vector_store %arg18[%swap3A_224, %swap3A_225], %swap3A_228 {strides = array<i32>} : memref<80x128xf32, #tpu.memory_space<vmem>>, vector<1x16xf32>,
          %get3A_229 = arith.index_cast %scan3A_173 : i32 to index
          %get3A_230 = arith.constant 64 : index
          %get3A_231 = tpu.vector_load %arg18[%get3A_229, %get3A_230] {strides = array<i32>} : memref<80x128xf32, #tpu.memory_space<vmem>>, vector<1x16xf32>,
          %get3A_232 = vector.shape_cast %get3A_231 : vector<1x16xf32> to vector<16xf32>
          %get3A_233 = arith.index_cast %scan3A_173 : i32 to index
          %get3A_234 = arith.constant 64 : index
          %get3A_235 = tpu.vector_load %arg16[%get3A_233, %get3A_234] {strides = array<i32>} : memref<80x128xf32, #tpu.memory_space<vmem>>, vector<1x16xf32>,
          %get3A_236 = vector.shape_cast %get3A_235 : vector<1x16xf32> to vector<16xf32>
          %mul3A_237 = arith.mulf %get3A_232, %get3A_236 : vector<16xf32>
          %swap3A_238 = arith.index_cast %scan3A_173 : i32 to index
          %swap3A_239 = arith.constant 64 : index
          %swap3A_240 = tpu.vector_load %arg18[%swap3A_238, %swap3A_239] {strides = array<i32>} : memref<80x128xf32, #tpu.memory_space<vmem>>, vector<1x16xf32>,
          %swap3A_241 = vector.shape_cast %swap3A_240 : vector<1x16xf32> to vector<16xf32>
          %swap3A_242 = vector.shape_cast %mul3A_237 : vector<16xf32> to vector<1x16xf32>
          tpu.vector_store %arg18[%swap3A_238, %swap3A_239], %swap3A_242 {strides = array<i32>} : memref<80x128xf32, #tpu.memory_space<vmem>>, vector<1x16xf32>,
          %get3A_243 = arith.index_cast %scan3A_173 : i32 to index
          %get3A_244 = arith.constant 80 : index
          %get3A_245 = tpu.vector_load %arg18[%get3A_243, %get3A_244] {strides = array<i32>} : memref<80x128xf32, #tpu.memory_space<vmem>>, vector<1x16xf32>,
          %get3A_246 = vector.shape_cast %get3A_245 : vector<1x16xf32> to vector<16xf32>
          %get3A_247 = arith.index_cast %scan3A_173 : i32 to index
          %get3A_248 = arith.constant 80 : index
          %get3A_249 = tpu.vector_load %arg16[%get3A_247, %get3A_248] {strides = array<i32>} : memref<80x128xf32, #tpu.memory_space<vmem>>, vector<1x16xf32>,
          %get3A_250 = vector.shape_cast %get3A_249 : vector<1x16xf32> to vector<16xf32>
          %mul3A_251 = arith.mulf %get3A_246, %get3A_250 : vector<16xf32>
          %swap3A_252 = arith.index_cast %scan3A_173 : i32 to index
          %swap3A_253 = arith.constant 80 : index
          %swap3A_254 = tpu.vector_load %arg18[%swap3A_252, %swap3A_253] {strides = array<i32>} : memref<80x128xf32, #tpu.memory_space<vmem>>, vector<1x16xf32>,
          %swap3A_255 = vector.shape_cast %swap3A_254 : vector<1x16xf32> to vector<16xf32>
          %swap3A_256 = vector.shape_cast %mul3A_251 : vector<16xf32> to vector<1x16xf32>
          tpu.vector_store %arg18[%swap3A_252, %swap3A_253], %swap3A_256 {strides = array<i32>} : memref<80x128xf32, #tpu.memory_space<vmem>>, vector<1x16xf32>,
          %get3A_257 = arith.index_cast %scan3A_173 : i32 to index
          %get3A_258 = arith.constant 96 : index
          %get3A_259 = tpu.vector_load %arg18[%get3A_257, %get3A_258] {strides = array<i32>} : memref<80x128xf32, #tpu.memory_space<vmem>>, vector<1x16xf32>,
          %get3A_260 = vector.shape_cast %get3A_259 : vector<1x16xf32> to vector<16xf32>
          %get3A_261 = arith.index_cast %scan3A_173 : i32 to index
          %get3A_262 = arith.constant 96 : index
          %get3A_263 = tpu.vector_load %arg16[%get3A_261, %get3A_262] {strides = array<i32>} : memref<80x128xf32, #tpu.memory_space<vmem>>, vector<1x16xf32>,
          %get3A_264 = vector.shape_cast %get3A_263 : vector<1x16xf32> to vector<16xf32>
          %mul3A_265 = arith.mulf %get3A_260, %get3A_264 : vector<16xf32>
          %swap3A_266 = arith.index_cast %scan3A_173 : i32 to index
          %swap3A_267 = arith.constant 96 : index
          %swap3A_268 = tpu.vector_load %arg18[%swap3A_266, %swap3A_267] {strides = array<i32>} : memref<80x128xf32, #tpu.memory_space<vmem>>, vector<1x16xf32>,
          %swap3A_269 = vector.shape_cast %swap3A_268 : vector<1x16xf32> to vector<16xf32>
          %swap3A_270 = vector.shape_cast %mul3A_265 : vector<16xf32> to vector<1x16xf32>
          tpu.vector_store %arg18[%swap3A_266, %swap3A_267], %swap3A_270 {strides = array<i32>} : memref<80x128xf32, #tpu.memory_space<vmem>>, vector<1x16xf32>,
          %get3A_271 = arith.index_cast %scan3A_173 : i32 to index
          %get3A_272 = arith.constant 112 : index
          %get3A_273 = tpu.vector_load %arg18[%get3A_271, %get3A_272] {strides = array<i32>} : memref<80x128xf32, #tpu.memory_space<vmem>>, vector<1x16xf32>,
          %get3A_274 = vector.shape_cast %get3A_273 : vector<1x16xf32> to vector<16xf32>
          %get3A_275 = arith.index_cast %scan3A_173 : i32 to index
          %get3A_276 = arith.constant 112 : index
          %get3A_277 = tpu.vector_load %arg16[%get3A_275, %get3A_276] {strides = array<i32>} : memref<80x128xf32, #tpu.memory_space<vmem>>, vector<1x16xf32>,
          %get3A_278 = vector.shape_cast %get3A_277 : vector<1x16xf32> to vector<16xf32>
          %mul3A_279 = arith.mulf %get3A_274, %get3A_278 : vector<16xf32>
          %swap3A_280 = arith.index_cast %scan3A_173 : i32 to index
          %swap3A_281 = arith.constant 112 : index
          %swap3A_282 = tpu.vector_load %arg18[%swap3A_280, %swap3A_281] {strides = array<i32>} : memref<80x128xf32, #tpu.memory_space<vmem>>, vector<1x16xf32>,
          %swap3A_283 = vector.shape_cast %swap3A_282 : vector<1x16xf32> to vector<16xf32>
          %swap3A_284 = vector.shape_cast %mul3A_279 : vector<16xf32> to vector<1x16xf32>
          tpu.vector_store %arg18[%swap3A_280, %swap3A_281], %swap3A_284 {strides = array<i32>} : memref<80x128xf32, #tpu.memory_space<vmem>>, vector<1x16xf32>,
          %scan3A_285 = arith.constant 0 : i32
          scf.yield %scan3A_285 : i32
        }
        %scan3A_172 = arith.constant 80 : i32
        "tpu.region"() ({
          %run_scoped3A = tpu.sem_alloc : memref<!tpu.dma_semaphore, #tpu.memory_space<semaphore_mem>>
          %dma_start3A_173 = arith.constant 0 : i32
          %dma_start3A_174 = arith.constant 0 : i32
          %dma_start3A_175 = tpu.memref_slice %arg20[%dma_start3A_173, %dma_start3A_174] : memref<10000x128xf32, #tpu.memory_space<vmem_shared>> -> memref<10000x128xf32, #tpu.memory_space<vmem_shared>>
          tpu.enqueue_indirect_dma source(%arg18 : memref<80x128xf32, #tpu.memory_space<vmem>>) target(%dma_start3A_175 : memref<10000x128xf32, #tpu.memory_space<vmem_shared>>) offsets(%arg14 : memref<80xi32, #tpu.memory_space<vmem>>) semaphore(%run_scoped3A : memref<!tpu.dma_semaphore, #tpu.memory_space<semaphore_mem>>) {add = true}
          %dma_wait3A_176 = arith.constant 0 : i32
          %dma_wait3A_177 = arith.constant 0 : i32
          %dma_wait3A_178 = tpu.memref_slice %arg20[%dma_wait3A_176, %dma_wait3A_177] : memref<10000x128xf32, #tpu.memory_space<vmem_shared>> -> memref<10000x128xf32, #tpu.memory_space<vmem_shared>>
          tpu.wait_indirect_dma semaphore(%run_scoped3A : memref<!tpu.dma_semaphore, #tpu.memory_space<semaphore_mem>>) src(%arg18 : memref<80x128xf32, #tpu.memory_space<vmem>>) dst(%dma_wait3A_178 : memref<10000x128xf32, #tpu.memory_space<vmem_shared>>)
          tpu.yield
        }) : () -> ()
      } else {
      }
      %add3A_119 = arith.constant 2 : i32
      %add3A_120 = arith.addi %add3A_113, %add3A_119 : i32
      %lt3A_121 = arith.constant 125 : i32
      %lt3A_122 = arith.cmpi slt, %add3A_120, %lt3A_121 : i32
      %convert_element_type3A_123 = arith.extui %lt3A_122 : i1 to i32
      %cond3A_124 = arith.constant 0 : i32
      %cond3A_125 = arith.cmpi ne, %convert_element_type3A_123, %cond3A_124 : i32
      scf.if %cond3A_125 {
        %dma_wait3A_154 = arith.constant 0 : i32
        %dma_wait3A_155 = tpu.memref_slice %arg3[%dma_wait3A_154] : memref<320000xi32, #tpu.memory_space<hbm>> -> memref<80xi32, #tpu.memory_space<hbm>>
        %dma_wait3A_156 = arith.constant 0 : i32
        %dma_wait3A_157 = tpu.memref_slice %arg3[%dma_wait3A_156] : memref<320000xi32, #tpu.memory_space<hbm>> -> memref<80xi32, #tpu.memory_space<hbm>>
        tpu.wait_dma2 semaphore(%arg21 : memref<!tpu.dma_semaphore, #tpu.memory_space<semaphore_mem>>) src(%dma_wait3A_157 : memref<80xi32, #tpu.memory_space<hbm>>) dst(%arg8 : memref<80xi32, #tpu.memory_space<vmem>>)
        %dma_wait3A_158 = arith.constant 0 : i32
        %dma_wait3A_159 = tpu.memref_slice %arg4[%dma_wait3A_158] : memref<320000xi32, #tpu.memory_space<hbm>> -> memref<80xi32, #tpu.memory_space<hbm>>
        %dma_wait3A_160 = arith.constant 0 : i32
        %dma_wait3A_161 = tpu.memref_slice %arg4[%dma_wait3A_160] : memref<320000xi32, #tpu.memory_space<hbm>> -> memref<80xi32, #tpu.memory_space<hbm>>
        tpu.wait_dma2 semaphore(%arg21 : memref<!tpu.dma_semaphore, #tpu.memory_space<semaphore_mem>>) src(%dma_wait3A_161 : memref<80xi32, #tpu.memory_space<hbm>>) dst(%arg12 : memref<80xi32, #tpu.memory_space<vmem>>)
        %add3A_162 = arith.constant 2 : i32
        %add3A_163 = arith.addi %add3A_113, %add3A_162 : i32
        %dma_start3A_164 = arith.constant 0 : i32
        %dma_start3A_165 = arith.constant 0 : i32
        %dma_start3A_166 = tpu.memref_slice %arg2[%dma_start3A_164, %dma_start3A_165] : memref<10000x128xf32, #tpu.memory_space<hbm>> -> memref<10000x128xf32, #tpu.memory_space<hbm>>
        tpu.enqueue_indirect_dma source(%dma_start3A_166 : memref<10000x128xf32, #tpu.memory_space<hbm>>) target(%arg16 : memref<80x128xf32, #tpu.memory_space<vmem>>) offsets(%arg8 : memref<80xi32, #tpu.memory_space<vmem>>) semaphore(%arg25 : memref<!tpu.dma_semaphore, #tpu.memory_space<semaphore_mem>>)
        %mul3A_167 = arith.constant 80 : i32
        %mul3A_168 = arith.muli %add3A_163, %mul3A_167 : i32
        %add3A_169 = arith.addi %mul3A_2, %mul3A_168 : i32
        %dma_start3A_170 = arith.constant 0 : i32
        %dma_start3A_171 = tpu.memref_slice %arg5[%add3A_169, %dma_start3A_170] : memref<320000x128xf32, #tpu.memory_space<hbm>> -> memref<80x128xf32, #tpu.memory_space<hbm>>
        %dma_start3A_172 = arith.constant 0 : i32
        %dma_start3A_173 = tpu.memref_slice %arg5[%add3A_169, %dma_start3A_172] : memref<320000x128xf32, #tpu.memory_space<hbm>> -> memref<80x128xf32, #tpu.memory_space<hbm>>
        tpu.enqueue_dma source(%dma_start3A_173 : memref<80x128xf32, #tpu.memory_space<hbm>>) target(%arg18 : memref<80x128xf32, #tpu.memory_space<vmem>>) target_semaphore(%arg25 : memref<!tpu.dma_semaphore, #tpu.memory_space<semaphore_mem>>)
      } else {
      }
      %add3A_126 = arith.constant 4 : i32
      %add3A_127 = arith.addi %add3A_113, %add3A_126 : i32
      %lt3A_128 = arith.constant 125 : i32
      %lt3A_129 = arith.cmpi slt, %add3A_127, %lt3A_128 : i32
      %convert_element_type3A_130 = arith.extui %lt3A_129 : i1 to i32
      %cond3A_131 = arith.constant 0 : i32
      %cond3A_132 = arith.cmpi ne, %convert_element_type3A_130, %cond3A_131 : i32
      scf.if %cond3A_132 {
        %add3A_154 = arith.constant 4 : i32
        %add3A_155 = arith.addi %add3A_113, %add3A_154 : i32
        %mul3A_156 = arith.constant 80 : i32
        %mul3A_157 = arith.muli %add3A_155, %mul3A_156 : i32
        %add3A_158 = arith.addi %mul3A_2, %mul3A_157 : i32
        %dma_start3A_159 = tpu.memref_slice %arg3[%add3A_158] : memref<320000xi32, #tpu.memory_space<hbm>> -> memref<80xi32, #tpu.memory_space<hbm>>
        %dma_start3A_160 = tpu.memref_slice %arg3[%add3A_158] : memref<320000xi32, #tpu.memory_space<hbm>> -> memref<80xi32, #tpu.memory_space<hbm>>
        tpu.enqueue_dma source(%dma_start3A_160 : memref<80xi32, #tpu.memory_space<hbm>>) target(%arg10 : memref<80xi32, #tpu.memory_space<vmem>>) target_semaphore(%arg23 : memref<!tpu.dma_semaphore, #tpu.memory_space<semaphore_mem>>)
        %dma_start3A_161 = tpu.memref_slice %arg4[%add3A_158] : memref<320000xi32, #tpu.memory_space<hbm>> -> memref<80xi32, #tpu.memory_space<hbm>>
        %dma_start3A_162 = tpu.memref_slice %arg4[%add3A_158] : memref<320000xi32, #tpu.memory_space<hbm>> -> memref<80xi32, #tpu.memory_space<hbm>>
        tpu.enqueue_dma source(%dma_start3A_162 : memref<80xi32, #tpu.memory_space<hbm>>) target(%arg14 : memref<80xi32, #tpu.memory_space<vmem>>) target_semaphore(%arg23 : memref<!tpu.dma_semaphore, #tpu.memory_space<semaphore_mem>>)
      } else {
      }
      %add3A_133 = arith.constant 3 : i32
      %add3A_134 = arith.addi %add3A_72, %add3A_133 : i32
      %lt3A_135 = arith.constant 125 : i32
      %lt3A_136 = arith.cmpi slt, %add3A_134, %lt3A_135 : i32
      %convert_element_type3A_137 = arith.extui %lt3A_136 : i1 to i32
      %cond3A_138 = arith.constant 0 : i32
      %cond3A_139 = arith.cmpi ne, %convert_element_type3A_137, %cond3A_138 : i32
      scf.if %cond3A_139 {
        %dma_wait3A_154 = arith.constant 0 : i32
        %dma_wait3A_155 = arith.constant 0 : i32
        %dma_wait3A_156 = tpu.memref_slice %arg2[%dma_wait3A_154, %dma_wait3A_155] : memref<10000x128xf32, #tpu.memory_space<hbm>> -> memref<80x128xf32, #tpu.memory_space<hbm>>
        %dma_wait3A_157 = arith.constant 0 : i32
        %dma_wait3A_158 = arith.constant 0 : i32
        %dma_wait3A_159 = tpu.memref_slice %arg2[%dma_wait3A_157, %dma_wait3A_158] : memref<10000x128xf32, #tpu.memory_space<hbm>> -> memref<80x128xf32, #tpu.memory_space<hbm>>
        tpu.wait_dma2 semaphore(%arg26 : memref<!tpu.dma_semaphore, #tpu.memory_space<semaphore_mem>>) src(%dma_wait3A_159 : memref<80x128xf32, #tpu.memory_space<hbm>>) dst(%arg17 : memref<80x128xf32, #tpu.memory_space<vmem>>)
        %dma_wait3A_160 = arith.constant 0 : i32
        %dma_wait3A_161 = arith.constant 0 : i32
        %dma_wait3A_162 = tpu.memref_slice %arg5[%dma_wait3A_160, %dma_wait3A_161] : memref<320000x128xf32, #tpu.memory_space<hbm>> -> memref<80x128xf32, #tpu.memory_space<hbm>>
        %dma_wait3A_163 = arith.constant 0 : i32
        %dma_wait3A_164 = arith.constant 0 : i32
        %dma_wait3A_165 = tpu.memref_slice %arg5[%dma_wait3A_163, %dma_wait3A_164] : memref<320000x128xf32, #tpu.memory_space<hbm>> -> memref<80x128xf32, #tpu.memory_space<hbm>>
        tpu.wait_dma2 semaphore(%arg26 : memref<!tpu.dma_semaphore, #tpu.memory_space<semaphore_mem>>) src(%dma_wait3A_165 : memref<80x128xf32, #tpu.memory_space<hbm>>) dst(%arg19 : memref<80x128xf32, #tpu.memory_space<vmem>>)
        %scan3A_166 = arith.constant 0 : i32
        %scan3A_167 = arith.constant 0 : i32
        %scan3A_168 = arith.constant 80 : i32
        %scan3A_169 = arith.addi %scan3A_167, %scan3A_168 : i32
        %scan3A_170 = arith.constant 1 : i32
        %scan3A_171 = scf.for %scan3A_173 = %scan3A_167 to %scan3A_169 step %scan3A_170 iter_args(%scan3A_174 = %scan3A_166) -> (i32)  : i32 {
          %get3A = arith.index_cast %scan3A_173 : i32 to index
          %get3A_175 = arith.constant 0 : index
          %get3A_176 = tpu.vector_load %arg19[%get3A, %get3A_175] {strides = array<i32>} : memref<80x128xf32, #tpu.memory_space<vmem>>, vector<1x16xf32>,
          %get3A_177 = vector.shape_cast %get3A_176 : vector<1x16xf32> to vector<16xf32>
          %get3A_178 = arith.index_cast %scan3A_173 : i32 to index
          %get3A_179 = arith.constant 0 : index
          %get3A_180 = tpu.vector_load %arg17[%get3A_178, %get3A_179] {strides = array<i32>} : memref<80x128xf32, #tpu.memory_space<vmem>>, vector<1x16xf32>,
          %get3A_181 = vector.shape_cast %get3A_180 : vector<1x16xf32> to vector<16xf32>
          %mul3A_182 = arith.mulf %get3A_177, %get3A_181 : vector<16xf32>
          %swap3A = arith.index_cast %scan3A_173 : i32 to index
          %swap3A_183 = arith.constant 0 : index
          %swap3A_184 = tpu.vector_load %arg19[%swap3A, %swap3A_183] {strides = array<i32>} : memref<80x128xf32, #tpu.memory_space<vmem>>, vector<1x16xf32>,
          %swap3A_185 = vector.shape_cast %swap3A_184 : vector<1x16xf32> to vector<16xf32>
          %swap3A_186 = vector.shape_cast %mul3A_182 : vector<16xf32> to vector<1x16xf32>
          tpu.vector_store %arg19[%swap3A, %swap3A_183], %swap3A_186 {strides = array<i32>} : memref<80x128xf32, #tpu.memory_space<vmem>>, vector<1x16xf32>,
          %get3A_187 = arith.index_cast %scan3A_173 : i32 to index
          %get3A_188 = arith.constant 16 : index
          %get3A_189 = tpu.vector_load %arg19[%get3A_187, %get3A_188] {strides = array<i32>} : memref<80x128xf32, #tpu.memory_space<vmem>>, vector<1x16xf32>,
          %get3A_190 = vector.shape_cast %get3A_189 : vector<1x16xf32> to vector<16xf32>
          %get3A_191 = arith.index_cast %scan3A_173 : i32 to index
          %get3A_192 = arith.constant 16 : index
          %get3A_193 = tpu.vector_load %arg17[%get3A_191, %get3A_192] {strides = array<i32>} : memref<80x128xf32, #tpu.memory_space<vmem>>, vector<1x16xf32>,
          %get3A_194 = vector.shape_cast %get3A_193 : vector<1x16xf32> to vector<16xf32>
          %mul3A_195 = arith.mulf %get3A_190, %get3A_194 : vector<16xf32>
          %swap3A_196 = arith.index_cast %scan3A_173 : i32 to index
          %swap3A_197 = arith.constant 16 : index
          %swap3A_198 = tpu.vector_load %arg19[%swap3A_196, %swap3A_197] {strides = array<i32>} : memref<80x128xf32, #tpu.memory_space<vmem>>, vector<1x16xf32>,
          %swap3A_199 = vector.shape_cast %swap3A_198 : vector<1x16xf32> to vector<16xf32>
          %swap3A_200 = vector.shape_cast %mul3A_195 : vector<16xf32> to vector<1x16xf32>
          tpu.vector_store %arg19[%swap3A_196, %swap3A_197], %swap3A_200 {strides = array<i32>} : memref<80x128xf32, #tpu.memory_space<vmem>>, vector<1x16xf32>,
          %get3A_201 = arith.index_cast %scan3A_173 : i32 to index
          %get3A_202 = arith.constant 32 : index
          %get3A_203 = tpu.vector_load %arg19[%get3A_201, %get3A_202] {strides = array<i32>} : memref<80x128xf32, #tpu.memory_space<vmem>>, vector<1x16xf32>,
          %get3A_204 = vector.shape_cast %get3A_203 : vector<1x16xf32> to vector<16xf32>
          %get3A_205 = arith.index_cast %scan3A_173 : i32 to index
          %get3A_206 = arith.constant 32 : index
          %get3A_207 = tpu.vector_load %arg17[%get3A_205, %get3A_206] {strides = array<i32>} : memref<80x128xf32, #tpu.memory_space<vmem>>, vector<1x16xf32>,
          %get3A_208 = vector.shape_cast %get3A_207 : vector<1x16xf32> to vector<16xf32>
          %mul3A_209 = arith.mulf %get3A_204, %get3A_208 : vector<16xf32>
          %swap3A_210 = arith.index_cast %scan3A_173 : i32 to index
          %swap3A_211 = arith.constant 32 : index
          %swap3A_212 = tpu.vector_load %arg19[%swap3A_210, %swap3A_211] {strides = array<i32>} : memref<80x128xf32, #tpu.memory_space<vmem>>, vector<1x16xf32>,
          %swap3A_213 = vector.shape_cast %swap3A_212 : vector<1x16xf32> to vector<16xf32>
          %swap3A_214 = vector.shape_cast %mul3A_209 : vector<16xf32> to vector<1x16xf32>
          tpu.vector_store %arg19[%swap3A_210, %swap3A_211], %swap3A_214 {strides = array<i32>} : memref<80x128xf32, #tpu.memory_space<vmem>>, vector<1x16xf32>,
          %get3A_215 = arith.index_cast %scan3A_173 : i32 to index
          %get3A_216 = arith.constant 48 : index
          %get3A_217 = tpu.vector_load %arg19[%get3A_215, %get3A_216] {strides = array<i32>} : memref<80x128xf32, #tpu.memory_space<vmem>>, vector<1x16xf32>,
          %get3A_218 = vector.shape_cast %get3A_217 : vector<1x16xf32> to vector<16xf32>
          %get3A_219 = arith.index_cast %scan3A_173 : i32 to index
          %get3A_220 = arith.constant 48 : index
          %get3A_221 = tpu.vector_load %arg17[%get3A_219, %get3A_220] {strides = array<i32>} : memref<80x128xf32, #tpu.memory_space<vmem>>, vector<1x16xf32>,
          %get3A_222 = vector.shape_cast %get3A_221 : vector<1x16xf32> to vector<16xf32>
          %mul3A_223 = arith.mulf %get3A_218, %get3A_222 : vector<16xf32>
          %swap3A_224 = arith.index_cast %scan3A_173 : i32 to index
          %swap3A_225 = arith.constant 48 : index
          %swap3A_226 = tpu.vector_load %arg19[%swap3A_224, %swap3A_225] {strides = array<i32>} : memref<80x128xf32, #tpu.memory_space<vmem>>, vector<1x16xf32>,
          %swap3A_227 = vector.shape_cast %swap3A_226 : vector<1x16xf32> to vector<16xf32>
          %swap3A_228 = vector.shape_cast %mul3A_223 : vector<16xf32> to vector<1x16xf32>
          tpu.vector_store %arg19[%swap3A_224, %swap3A_225], %swap3A_228 {strides = array<i32>} : memref<80x128xf32, #tpu.memory_space<vmem>>, vector<1x16xf32>,
          %get3A_229 = arith.index_cast %scan3A_173 : i32 to index
          %get3A_230 = arith.constant 64 : index
          %get3A_231 = tpu.vector_load %arg19[%get3A_229, %get3A_230] {strides = array<i32>} : memref<80x128xf32, #tpu.memory_space<vmem>>, vector<1x16xf32>,
          %get3A_232 = vector.shape_cast %get3A_231 : vector<1x16xf32> to vector<16xf32>
          %get3A_233 = arith.index_cast %scan3A_173 : i32 to index
          %get3A_234 = arith.constant 64 : index
          %get3A_235 = tpu.vector_load %arg17[%get3A_233, %get3A_234] {strides = array<i32>} : memref<80x128xf32, #tpu.memory_space<vmem>>, vector<1x16xf32>,
          %get3A_236 = vector.shape_cast %get3A_235 : vector<1x16xf32> to vector<16xf32>
          %mul3A_237 = arith.mulf %get3A_232, %get3A_236 : vector<16xf32>
          %swap3A_238 = arith.index_cast %scan3A_173 : i32 to index
          %swap3A_239 = arith.constant 64 : index
          %swap3A_240 = tpu.vector_load %arg19[%swap3A_238, %swap3A_239] {strides = array<i32>} : memref<80x128xf32, #tpu.memory_space<vmem>>, vector<1x16xf32>,
          %swap3A_241 = vector.shape_cast %swap3A_240 : vector<1x16xf32> to vector<16xf32>
          %swap3A_242 = vector.shape_cast %mul3A_237 : vector<16xf32> to vector<1x16xf32>
          tpu.vector_store %arg19[%swap3A_238, %swap3A_239], %swap3A_242 {strides = array<i32>} : memref<80x128xf32, #tpu.memory_space<vmem>>, vector<1x16xf32>,
          %get3A_243 = arith.index_cast %scan3A_173 : i32 to index
          %get3A_244 = arith.constant 80 : index
          %get3A_245 = tpu.vector_load %arg19[%get3A_243, %get3A_244] {strides = array<i32>} : memref<80x128xf32, #tpu.memory_space<vmem>>, vector<1x16xf32>,
          %get3A_246 = vector.shape_cast %get3A_245 : vector<1x16xf32> to vector<16xf32>
          %get3A_247 = arith.index_cast %scan3A_173 : i32 to index
          %get3A_248 = arith.constant 80 : index
          %get3A_249 = tpu.vector_load %arg17[%get3A_247, %get3A_248] {strides = array<i32>} : memref<80x128xf32, #tpu.memory_space<vmem>>, vector<1x16xf32>,
          %get3A_250 = vector.shape_cast %get3A_249 : vector<1x16xf32> to vector<16xf32>
          %mul3A_251 = arith.mulf %get3A_246, %get3A_250 : vector<16xf32>
          %swap3A_252 = arith.index_cast %scan3A_173 : i32 to index
          %swap3A_253 = arith.constant 80 : index
          %swap3A_254 = tpu.vector_load %arg19[%swap3A_252, %swap3A_253] {strides = array<i32>} : memref<80x128xf32, #tpu.memory_space<vmem>>, vector<1x16xf32>,
          %swap3A_255 = vector.shape_cast %swap3A_254 : vector<1x16xf32> to vector<16xf32>
          %swap3A_256 = vector.shape_cast %mul3A_251 : vector<16xf32> to vector<1x16xf32>
          tpu.vector_store %arg19[%swap3A_252, %swap3A_253], %swap3A_256 {strides = array<i32>} : memref<80x128xf32, #tpu.memory_space<vmem>>, vector<1x16xf32>,
          %get3A_257 = arith.index_cast %scan3A_173 : i32 to index
          %get3A_258 = arith.constant 96 : index
          %get3A_259 = tpu.vector_load %arg19[%get3A_257, %get3A_258] {strides = array<i32>} : memref<80x128xf32, #tpu.memory_space<vmem>>, vector<1x16xf32>,
          %get3A_260 = vector.shape_cast %get3A_259 : vector<1x16xf32> to vector<16xf32>
          %get3A_261 = arith.index_cast %scan3A_173 : i32 to index
          %get3A_262 = arith.constant 96 : index
          %get3A_263 = tpu.vector_load %arg17[%get3A_261, %get3A_262] {strides = array<i32>} : memref<80x128xf32, #tpu.memory_space<vmem>>, vector<1x16xf32>,
          %get3A_264 = vector.shape_cast %get3A_263 : vector<1x16xf32> to vector<16xf32>
          %mul3A_265 = arith.mulf %get3A_260, %get3A_264 : vector<16xf32>
          %swap3A_266 = arith.index_cast %scan3A_173 : i32 to index
          %swap3A_267 = arith.constant 96 : index
          %swap3A_268 = tpu.vector_load %arg19[%swap3A_266, %swap3A_267] {strides = array<i32>} : memref<80x128xf32, #tpu.memory_space<vmem>>, vector<1x16xf32>,
          %swap3A_269 = vector.shape_cast %swap3A_268 : vector<1x16xf32> to vector<16xf32>
          %swap3A_270 = vector.shape_cast %mul3A_265 : vector<16xf32> to vector<1x16xf32>
          tpu.vector_store %arg19[%swap3A_266, %swap3A_267], %swap3A_270 {strides = array<i32>} : memref<80x128xf32, #tpu.memory_space<vmem>>, vector<1x16xf32>,
          %get3A_271 = arith.index_cast %scan3A_173 : i32 to index
          %get3A_272 = arith.constant 112 : index
          %get3A_273 = tpu.vector_load %arg19[%get3A_271, %get3A_272] {strides = array<i32>} : memref<80x128xf32, #tpu.memory_space<vmem>>, vector<1x16xf32>,
          %get3A_274 = vector.shape_cast %get3A_273 : vector<1x16xf32> to vector<16xf32>
          %get3A_275 = arith.index_cast %scan3A_173 : i32 to index
          %get3A_276 = arith.constant 112 : index
          %get3A_277 = tpu.vector_load %arg17[%get3A_275, %get3A_276] {strides = array<i32>} : memref<80x128xf32, #tpu.memory_space<vmem>>, vector<1x16xf32>,
          %get3A_278 = vector.shape_cast %get3A_277 : vector<1x16xf32> to vector<16xf32>
          %mul3A_279 = arith.mulf %get3A_274, %get3A_278 : vector<16xf32>
          %swap3A_280 = arith.index_cast %scan3A_173 : i32 to index
          %swap3A_281 = arith.constant 112 : index
          %swap3A_282 = tpu.vector_load %arg19[%swap3A_280, %swap3A_281] {strides = array<i32>} : memref<80x128xf32, #tpu.memory_space<vmem>>, vector<1x16xf32>,
          %swap3A_283 = vector.shape_cast %swap3A_282 : vector<1x16xf32> to vector<16xf32>
          %swap3A_284 = vector.shape_cast %mul3A_279 : vector<16xf32> to vector<1x16xf32>
          tpu.vector_store %arg19[%swap3A_280, %swap3A_281], %swap3A_284 {strides = array<i32>} : memref<80x128xf32, #tpu.memory_space<vmem>>, vector<1x16xf32>,
          %scan3A_285 = arith.constant 0 : i32
          scf.yield %scan3A_285 : i32
        }
        %scan3A_172 = arith.constant 80 : i32
        "tpu.region"() ({
          %run_scoped3A = tpu.sem_alloc : memref<!tpu.dma_semaphore, #tpu.memory_space<semaphore_mem>>
          %dma_start3A_173 = arith.constant 0 : i32
          %dma_start3A_174 = arith.constant 0 : i32
          %dma_start3A_175 = tpu.memref_slice %arg20[%dma_start3A_173, %dma_start3A_174] : memref<10000x128xf32, #tpu.memory_space<vmem_shared>> -> memref<10000x128xf32, #tpu.memory_space<vmem_shared>>
          tpu.enqueue_indirect_dma source(%arg19 : memref<80x128xf32, #tpu.memory_space<vmem>>) target(%dma_start3A_175 : memref<10000x128xf32, #tpu.memory_space<vmem_shared>>) offsets(%arg15 : memref<80xi32, #tpu.memory_space<vmem>>) semaphore(%run_scoped3A : memref<!tpu.dma_semaphore, #tpu.memory_space<semaphore_mem>>) {add = true}
          %dma_wait3A_176 = arith.constant 0 : i32
          %dma_wait3A_177 = arith.constant 0 : i32
          %dma_wait3A_178 = tpu.memref_slice %arg20[%dma_wait3A_176, %dma_wait3A_177] : memref<10000x128xf32, #tpu.memory_space<vmem_shared>> -> memref<10000x128xf32, #tpu.memory_space<vmem_shared>>
          tpu.wait_indirect_dma semaphore(%run_scoped3A : memref<!tpu.dma_semaphore, #tpu.memory_space<semaphore_mem>>) src(%arg19 : memref<80x128xf32, #tpu.memory_space<vmem>>) dst(%dma_wait3A_178 : memref<10000x128xf32, #tpu.memory_space<vmem_shared>>)
          tpu.yield
        }) : () -> ()
      } else {
      }
      %add3A_140 = arith.constant 2 : i32
      %add3A_141 = arith.addi %add3A_134, %add3A_140 : i32
      %lt3A_142 = arith.constant 125 : i32
      %lt3A_143 = arith.cmpi slt, %add3A_141, %lt3A_142 : i32
      %convert_element_type3A_144 = arith.extui %lt3A_143 : i1 to i32
      %cond3A_145 = arith.constant 0 : i32
      %cond3A_146 = arith.cmpi ne, %convert_element_type3A_144, %cond3A_145 : i32
      scf.if %cond3A_146 {
        %dma_wait3A_154 = arith.constant 0 : i32
        %dma_wait3A_155 = tpu.memref_slice %arg3[%dma_wait3A_154] : memref<320000xi32, #tpu.memory_space<hbm>> -> memref<80xi32, #tpu.memory_space<hbm>>
        %dma_wait3A_156 = arith.constant 0 : i32
        %dma_wait3A_157 = tpu.memref_slice %arg3[%dma_wait3A_156] : memref<320000xi32, #tpu.memory_space<hbm>> -> memref<80xi32, #tpu.memory_space<hbm>>
        tpu.wait_dma2 semaphore(%arg22 : memref<!tpu.dma_semaphore, #tpu.memory_space<semaphore_mem>>) src(%dma_wait3A_157 : memref<80xi32, #tpu.memory_space<hbm>>) dst(%arg9 : memref<80xi32, #tpu.memory_space<vmem>>)
        %dma_wait3A_158 = arith.constant 0 : i32
        %dma_wait3A_159 = tpu.memref_slice %arg4[%dma_wait3A_158] : memref<320000xi32, #tpu.memory_space<hbm>> -> memref<80xi32, #tpu.memory_space<hbm>>
        %dma_wait3A_160 = arith.constant 0 : i32
        %dma_wait3A_161 = tpu.memref_slice %arg4[%dma_wait3A_160] : memref<320000xi32, #tpu.memory_space<hbm>> -> memref<80xi32, #tpu.memory_space<hbm>>
        tpu.wait_dma2 semaphore(%arg22 : memref<!tpu.dma_semaphore, #tpu.memory_space<semaphore_mem>>) src(%dma_wait3A_161 : memref<80xi32, #tpu.memory_space<hbm>>) dst(%arg13 : memref<80xi32, #tpu.memory_space<vmem>>)
        %add3A_162 = arith.constant 2 : i32
        %add3A_163 = arith.addi %add3A_134, %add3A_162 : i32
        %dma_start3A_164 = arith.constant 0 : i32
        %dma_start3A_165 = arith.constant 0 : i32
        %dma_start3A_166 = tpu.memref_slice %arg2[%dma_start3A_164, %dma_start3A_165] : memref<10000x128xf32, #tpu.memory_space<hbm>> -> memref<10000x128xf32, #tpu.memory_space<hbm>>
        tpu.enqueue_indirect_dma source(%dma_start3A_166 : memref<10000x128xf32, #tpu.memory_space<hbm>>) target(%arg17 : memref<80x128xf32, #tpu.memory_space<vmem>>) offsets(%arg9 : memref<80xi32, #tpu.memory_space<vmem>>) semaphore(%arg26 : memref<!tpu.dma_semaphore, #tpu.memory_space<semaphore_mem>>)
        %mul3A_167 = arith.constant 80 : i32
        %mul3A_168 = arith.muli %add3A_163, %mul3A_167 : i32
        %add3A_169 = arith.addi %mul3A_2, %mul3A_168 : i32
        %dma_start3A_170 = arith.constant 0 : i32
        %dma_start3A_171 = tpu.memref_slice %arg5[%add3A_169, %dma_start3A_170] : memref<320000x128xf32, #tpu.memory_space<hbm>> -> memref<80x128xf32, #tpu.memory_space<hbm>>
        %dma_start3A_172 = arith.constant 0 : i32
        %dma_start3A_173 = tpu.memref_slice %arg5[%add3A_169, %dma_start3A_172] : memref<320000x128xf32, #tpu.memory_space<hbm>> -> memref<80x128xf32, #tpu.memory_space<hbm>>
        tpu.enqueue_dma source(%dma_start3A_173 : memref<80x128xf32, #tpu.memory_space<hbm>>) target(%arg19 : memref<80x128xf32, #tpu.memory_space<vmem>>) target_semaphore(%arg26 : memref<!tpu.dma_semaphore, #tpu.memory_space<semaphore_mem>>)
      } else {
      }
      %add3A_147 = arith.constant 4 : i32
      %add3A_148 = arith.addi %add3A_134, %add3A_147 : i32
      %lt3A_149 = arith.constant 125 : i32
      %lt3A_150 = arith.cmpi slt, %add3A_148, %lt3A_149 : i32
      %convert_element_type3A_151 = arith.extui %lt3A_150 : i1 to i32
      %cond3A_152 = arith.constant 0 : i32
      %cond3A_153 = arith.cmpi ne, %convert_element_type3A_151, %cond3A_152 : i32
      scf.if %cond3A_153 {
        %add3A_154 = arith.constant 4 : i32
        %add3A_155 = arith.addi %add3A_134, %add3A_154 : i32
        %mul3A_156 = arith.constant 80 : i32
        %mul3A_157 = arith.muli %add3A_155, %mul3A_156 : i32
        %add3A_158 = arith.addi %mul3A_2, %mul3A_157 : i32
        %dma_start3A_159 = tpu.memref_slice %arg3[%add3A_158] : memref<320000xi32, #tpu.memory_space<hbm>> -> memref<80xi32, #tpu.memory_space<hbm>>
        %dma_start3A_160 = tpu.memref_slice %arg3[%add3A_158] : memref<320000xi32, #tpu.memory_space<hbm>> -> memref<80xi32, #tpu.memory_space<hbm>>
        tpu.enqueue_dma source(%dma_start3A_160 : memref<80xi32, #tpu.memory_space<hbm>>) target(%arg11 : memref<80xi32, #tpu.memory_space<vmem>>) target_semaphore(%arg24 : memref<!tpu.dma_semaphore, #tpu.memory_space<semaphore_mem>>)
        %dma_start3A_161 = tpu.memref_slice %arg4[%add3A_158] : memref<320000xi32, #tpu.memory_space<hbm>> -> memref<80xi32, #tpu.memory_space<hbm>>
        %dma_start3A_162 = tpu.memref_slice %arg4[%add3A_158] : memref<320000xi32, #tpu.memory_space<hbm>> -> memref<80xi32, #tpu.memory_space<hbm>>
        tpu.enqueue_dma source(%dma_start3A_162 : memref<80xi32, #tpu.memory_space<hbm>>) target(%arg15 : memref<80xi32, #tpu.memory_space<vmem>>) target_semaphore(%arg24 : memref<!tpu.dma_semaphore, #tpu.memory_space<semaphore_mem>>)
      } else {
      }
    }
    %scan3A_64 = arith.constant 32 : i32
    %barrier3A_65 = arith.constant 0 : index
    tpu.barrier barrier_id(%barrier3A_65)
    %mul3A_66 = arith.constant 625 : i32
    %mul3A_67 = arith.muli %arg1, %mul3A_66 : i32
    "tpu.region"() ({
      %run_scoped3A = tpu.sem_alloc : memref<!tpu.dma_semaphore, #tpu.memory_space<semaphore_mem>>
      %dma_start3A_68 = arith.constant 0 : i32
      %dma_start3A_69 = arith.constant 0 : i32
      %dma_start3A_70 = tpu.memref_slice %arg7[%arg0, %arg1, %dma_start3A_68, %dma_start3A_69] : memref<2x16x625x128xf32, #tpu.memory_space<hbm>> -> memref<1x1x625x128xf32, #tpu.memory_space<hbm>>
      %dma_start3A_71 = tpu.memref_squeeze %dma_start3A_70 : memref<1x1x625x128xf32, #tpu.memory_space<hbm>> -> memref<625x128xf32, #tpu.memory_space<hbm>>
      %dma_start3A_72 = arith.constant 0 : i32
      %dma_start3A_73 = tpu.memref_slice %arg20[%mul3A_67, %dma_start3A_72] : memref<10000x128xf32, #tpu.memory_space<vmem_shared>> -> memref<625x128xf32, #tpu.memory_space<vmem_shared>>
      tpu.enqueue_dma source(%dma_start3A_73 : memref<625x128xf32, #tpu.memory_space<vmem_shared>>) target(%dma_start3A_71 : memref<625x128xf32, #tpu.memory_space<hbm>>) target_semaphore(%run_scoped3A : memref<!tpu.dma_semaphore, #tpu.memory_space<semaphore_mem>>)
      %dma_wait3A_74 = arith.constant 0 : i32
      %dma_wait3A_75 = arith.constant 0 : i32
      %dma_wait3A_76 = tpu.memref_slice %arg7[%arg0, %arg1, %dma_wait3A_74, %dma_wait3A_75] : memref<2x16x625x128xf32, #tpu.memory_space<hbm>> -> memref<1x1x625x128xf32, #tpu.memory_space<hbm>>
      %dma_wait3A_77 = tpu.memref_squeeze %dma_wait3A_76 : memref<1x1x625x128xf32, #tpu.memory_space<hbm>> -> memref<625x128xf32, #tpu.memory_space<hbm>>
      %dma_wait3A_78 = arith.constant 0 : i32
      %dma_wait3A_79 = tpu.memref_slice %arg20[%mul3A_67, %dma_wait3A_78] : memref<10000x128xf32, #tpu.memory_space<vmem_shared>> -> memref<625x128xf32, #tpu.memory_space<vmem_shared>>
      tpu.wait_dma2 semaphore(%run_scoped3A : memref<!tpu.dma_semaphore, #tpu.memory_space<semaphore_mem>>) src(%dma_wait3A_79 : memref<625x128xf32, #tpu.memory_space<vmem_shared>>) dst(%dma_wait3A_77 : memref<625x128xf32, #tpu.memory_space<hbm>>)
      tpu.yield
    }) : () -> ()
    return
  }
}

module attributes {stable_mosaic.version = 14 : i64} {
  func.func @_red_body(%arg0: i32, %arg1: memref<2x1x625x128xf32, #tpu.memory_space<vmem>>, %arg2: memref<1x625x128xf32, #tpu.memory_space<vmem>>) attributes {dimension_semantics = [#tpu.dimension_semantics<arbitrary>], iteration_bounds = array<i64: 16>, scalar_prefetch = 0 : i64, scratch_operands = 0 : i64, tpu.core_type = #tpu.core_type<tc>, window_params = [{transform_indices = @transform_0, window_bounds = array<i64: 2, 1, 625, 128>}, {transform_indices = @transform_1, window_bounds = array<i64: 1, 625, 128>}]} {
    %get3A = arith.constant 0 : index
    %get3A_0 = arith.constant 0 : index
    %get3A_1 = arith.constant 0 : index
    %get3A_2 = arith.constant 0 : index
    %get3A_3 = vector.load %arg1[%get3A, %get3A_0, %get3A_1, %get3A_2] : memref<2x1x625x128xf32, #tpu.memory_space<vmem>>, vector<1x1x625x128xf32>
    %get3A_4 = vector.shape_cast %get3A_3 : vector<1x1x625x128xf32> to vector<1x625x128xf32>
    %get3A_5 = arith.constant 1 : index
    %get3A_6 = arith.constant 0 : index
    %get3A_7 = arith.constant 0 : index
    %get3A_8 = arith.constant 0 : index
    %get3A_9 = vector.load %arg1[%get3A_5, %get3A_6, %get3A_7, %get3A_8] : memref<2x1x625x128xf32, #tpu.memory_space<vmem>>, vector<1x1x625x128xf32>
    %get3A_10 = vector.shape_cast %get3A_9 : vector<1x1x625x128xf32> to vector<1x625x128xf32>
    %add3A = arith.addf %get3A_4, %get3A_10 : vector<1x625x128xf32>
    %swap3A = arith.constant 0 : index
    %swap3A_11 = arith.constant 0 : index
    %swap3A_12 = arith.constant 0 : index
    %swap3A_13 = vector.load %arg2[%swap3A, %swap3A_11, %swap3A_12] : memref<1x625x128xf32, #tpu.memory_space<vmem>>, vector<1x625x128xf32>
    tpu.vector_store %arg2[%swap3A, %swap3A_11, %swap3A_12], %add3A {strides = array<i32>} : memref<1x625x128xf32, #tpu.memory_space<vmem>>, vector<1x625x128xf32>,
    return
  }
  func.func @transform_0(%arg0: i32) -> (i32, i32, i32, i32) {
    %c0_i32 = arith.constant 0 : i32
    %c0_i32_0 = arith.constant 0 : i32
    %c0_i32_1 = arith.constant 0 : i32
    %c0_i32_2 = arith.constant 0 : i32
    return %c0_i32, %arg0, %c0_i32_0, %c0_i32_1 : i32, i32, i32, i32
  }
  func.func @transform_1(%arg0: i32) -> (i32, i32, i32) {
    %c0_i32 = arith.constant 0 : i32
    %c0_i32_0 = arith.constant 0 : i32
    %c0_i32_1 = arith.constant 0 : i32
    return %arg0, %c0_i32, %c0_i32_0 : i32, i32, i32
  }
}

module attributes {stable_mosaic.version = 14 : i64} {
  func.func @_wmat_body(%arg0: i32, %arg1: memref<16x2560xf32, #tpu.memory_space<vmem>>, %arg2: memref<1x2560xf32, #tpu.memory_space<vmem>>, %arg3: memref<16x128xf32, #tpu.memory_space<vmem>>, %arg4: memref<2560x128xf32, #tpu.memory_space<vmem>>) attributes {dimension_semantics = [#tpu.dimension_semantics<arbitrary>], iteration_bounds = array<i64: 125>, scalar_prefetch = 0 : i64, scratch_operands = 0 : i64, tpu.core_type = #tpu.core_type<tc>, window_params = [{transform_indices = @transform_0, window_bounds = array<i64: 16, 2560>}, {transform_indices = @transform_1, window_bounds = array<i64: 1, 2560>}, {pipeline_mode = #tpu.pipeline_mode<synchronous>, transform_indices = @transform_2, window_bounds = array<i64: 16, 128>}, {transform_indices = @transform_3, window_bounds = array<i64: 2560, 128>}]} {
    %get3A = arith.constant 0 : index
    %get3A_0 = arith.constant 0 : index
    %get3A_1 = vector.load %arg1[%get3A, %get3A_0] : memref<16x2560xf32, #tpu.memory_space<vmem>>, vector<16x2560xf32>
    %get3A_2 = arith.constant 0 : index
    %get3A_3 = arith.constant 0 : index
    %get3A_4 = vector.load %arg2[%get3A_2, %get3A_3] : memref<1x2560xf32, #tpu.memory_space<vmem>>, vector<1x2560xf32>
    %mul3A = vector.broadcast %get3A_4 : vector<1x2560xf32> to vector<16x2560xf32>
    %mul3A_5 = arith.mulf %get3A_1, %mul3A : vector<16x2560xf32>
    %get3A_6 = arith.constant 0 : index
    %get3A_7 = arith.constant 0 : index
    %get3A_8 = vector.load %arg3[%get3A_6, %get3A_7] : memref<16x128xf32, #tpu.memory_space<vmem>>, vector<16x128xf32>
    %dot_general3A = arith.constant dense<0.000000e+00> : vector<2560x128xf32>
    %dot_general3A_9 = tpu.matmul %mul3A_5, %get3A_8, %dot_general3A {dimension_numbers = #tpu.dot_dimension_numbers<[0], [0], [1], [1], [0, 1, 1, 1], [], []>, transpose_lhs_hint = false} : vector<16x2560xf32>, vector<16x128xf32>, vector<2560x128xf32> -> vector<2560x128xf32>
    %swap3A = arith.constant 0 : index
    %swap3A_10 = arith.constant 0 : index
    %swap3A_11 = vector.load %arg4[%swap3A, %swap3A_10] : memref<2560x128xf32, #tpu.memory_space<vmem>>, vector<2560x128xf32>
    tpu.vector_store %arg4[%swap3A, %swap3A_10], %dot_general3A_9 {strides = array<i32>} : memref<2560x128xf32, #tpu.memory_space<vmem>>, vector<2560x128xf32>,
    return
  }
  func.func @transform_0(%arg0: i32) -> (i32, i32) {
    %c0_i32 = arith.constant 0 : i32
    %c0_i32_0 = arith.constant 0 : i32
    return %c0_i32, %arg0 : i32, i32
  }
  func.func @transform_1(%arg0: i32) -> (i32, i32) {
    %c0_i32 = arith.constant 0 : i32
    %c0_i32_0 = arith.constant 0 : i32
    return %c0_i32, %arg0 : i32, i32
  }
  func.func @transform_2(%arg0: i32) -> (i32, i32) {
    %c0_i32 = arith.constant 0 : i32
    %c0_i32_0 = arith.constant 0 : i32
    %c0_i32_1 = arith.constant 0 : i32
    return %c0_i32, %c0_i32_0 : i32, i32
  }
  func.func @transform_3(%arg0: i32) -> (i32, i32) {
    %c0_i32 = arith.constant 0 : i32
    %c0_i32_0 = arith.constant 0 : i32
    return %arg0, %c0_i32 : i32, i32
  }
}

</mosaic_0001>

<sc_bundles>
// kernel: kernel.5.cloned.1.call-start
scs
__scs_entry_jumppad:
0x0: {  	(pc) =	sbr.rel $0x88, $3  }
0x1: {  	(tag) =	ssettag $0x0;
	lr =	simm.s32 $0x1  }
0x2: {  	[smem:$0x3F9B] =	sst lr;
	_ =	strace $0xD0000000  }
0x3: {  	_ = 	snop  }
0x4: {  	_ = 	snop  }
0x5: {  	_ = 	snop  }
0x6: {  	_ = 	snop  }
0x7: {  	_ = 	snop  }
__scs_overlays_trampoline_lowered:
0x8: {  	[smem:$0x3FAA] =	sst s0  }
0x9: {  	[smem:$0x3FAB] =	sst s1  }
0xa: {  	[smem:$0x3FAC] =	sst s2  }
0xb: {  	[smem:$0x3FAD] =	sst s3  }
0xc: {  	[smem:$0x3FAE] =	sst s4  }
0xd: {  	[smem:$0x3FAF] =	sst s5  }
0xe: {  	[smem:$0x3FB0] =	sst s6  }
0xf: {  	[smem:$0x3FB1] =	sst s7  }
0x10: {  	[smem:$0x3FB2] =	sst s8  }
0x11: {  	[smem:$0x3FB3] =	sst s9;
	s0 =	simm.s32 @!p0 $0x0  }
0x12: {  	s1 =	sld [smem:$0x3F99];
	s0 =	simm.s32 @p0 $0x1  }
0x13: {  	[smem:$0x3FB4] =	sst s0;
	s0 =	simm.s32 @!p1 $0x0  }
0x14: {  	s2 =	sld [smem:$0x3F98];
	s0 =	simm.s32 @p1 $0x1  }
0x15: {  	[smem:$0x3FB5] =	sst s0;
	s0 =	simm.s32 @!p2 $0x0  }
0x16: {  	s3 =	sld [smem:$0x3FDB];
	s0 =	simm.s32 @p2 $0x1  }
0x17: {  	s4 =	simm.s32 $0x1BF5;
	[smem:$0x3FB7] =	sst s0  }
0x18: {  	s0 =	sld [smem:$0x3F9A];
	_ =	swait.ge [sflag:s4], $0x0  }
0x19: {  	s7 =	sld [smem:$0x3F9B]  }
0x1a: {  	s8 =	sadd.s32 $0xFFFFE003, lr  }
0x1b: {  	s9 =	sadd.s32 $0xFFFFFEF7, lr;
	s5 =	simm.s32 $0xFFFFFFFF;
	p2 =	slt.u32 s8, $0xFFFFF086  }
0x1c: {  	p1 =	slt.u32 s9, $0xF7A;
	s5 =	simm.s32 @!p2 $0x0  }
0x1d: {  	s5 =	simm.s32 @p1 $0x1;
	p0 =	seq.s32 s7, s2  }
0x1e: {  	s7 =	smul.u32 @!p0 $0xF7A, s2;
	p2 =	seq.s32 @!p0 s5, $0x0  }
0x1f: {  	s9 =	smul.u32 $0xF7A, s1;
	s8 =	simm.s32 @!p0 $0x1BF5;
	p2 =	por !p2, p0  }
0x20: {  	[sflag:s8] =	ssyncset.s32 @!p0 $0xFFFFF086;
	s6 =	sadd.s32 @!p0 s3, s7;
	s7 =	simm.s32 @!p0 $0x108  }
0x21: {  	s3 =	sadd.s32 s3, s9;
	s6 =	sadd.s32 @!p0 $0x88, s6;
	s7 =	simm.s32 @p2 $0x1082  }
0x22: {  	[simem:s7], [sflag:s8] =	dma.local @!p0 [hbm:s6], $0xF7A  }
0x23: {  	s9 =	sor.u32 $0xD0000000, s2;
	s6 =	simm.s32 $0x108;
	_ =	swait.ge @!p0 [sflag:s8], $0x0  }
0x24: {  	s3 =	sadd.s32 $0x88, s3;
	s6 =	simm.s32 @!p1 $0x1082;
	[sflag:s4] =	ssyncset.s32 $0xFFFFF086  }
0x25: {  	[simem:s6], [sflag:s4] =	dma.local [hbm:s3], $0xF7A  }
0x26: {  	[smem:$0x3F9B] =	sst s1;
	(tag) =	ssettag s2;
	_ =	strace s9  }
0x27: {  	s1 =	sld [smem:$0x3FAB]  }
0x28: {  	s2 =	sld [smem:$0x3FAC]  }
0x29: {  	s4 =	sld [smem:$0x3FAE]  }
0x2a: {  	p0 =	seq.s32 s5, $0x0;
	s5 =	sld [smem:$0x3FAF]  }
0x2b: {  	s6 =	sld [smem:$0x3FB0]  }
0x2c: {  	s7 =	sld [smem:$0x3FB1]  }
0x2d: {  	s3 =	simm.s32 $0x108;
	s8 =	sld [smem:$0x3FB2]  }
0x2e: {  	s3 =	simm.s32 @!p0 $0x1082;
	s9 =	sld [smem:$0x3FB3]  }
0x2f: {  	lr =	sadd.s32 s0, s3;
	s0 =	sld [smem:$0x3FAA]  }
0x30: {  	s3 =	sld [smem:$0x3FAD]  }
0x31: {  	[smem:$0x3FB6] =	sst s10  }
0x32: {  	s10 =	sld [smem:$0x3FB4];
	_ =	sdelay $0x3  }
0x33: {  	p0 =	seq.s32 s10, $0x1;
	s10 =	sld [smem:$0x3FB6];
	_ =	sdelay $0x3  }
0x34: {  	[smem:$0x3FB6] =	sst s10  }
0x35: {  	s10 =	sld [smem:$0x3FB5];
	_ =	sdelay $0x3  }
0x36: {  	p1 =	seq.s32 s10, $0x1;
	s10 =	sld [smem:$0x3FB6];
	_ =	sdelay $0x3  }
0x37: {  	[smem:$0x3FB6] =	sst s10  }
0x38: {  	s10 =	sld [smem:$0x3FB7]  }
0x39: {  	_ = 	snop;
	(pc) =	sbr.ind lr, $3  }
0x3a: {  	_ = 	snop  }
0x3b: {  	_ = 	snop  }
0x3c: {  	p2 =	seq.s32 s10, $0x1;
	s10 =	sld [smem:$0x3FB6]  }
0x3d: {  	_ =	shalt  }
0x3e: {  	_ =	shalt  }
0x3f: {  	_ =	shalt  }
0x40: {  	_ =	shalt  }
0x41: {  	_ =	shalt  }
0x42: {  	_ =	shalt  }
0x43: {  	_ =	shalt  }
0x44: {  	_ =	shalt  }
0x45: {  	_ =	shalt  }
0x46: {  	_ =	shalt  }
0x47: {  	_ =	shalt  }
0x48: {  	_ =	shalt  }
0x49: {  	_ =	shalt  }
0x4a: {  	_ =	shalt  }
0x4b: {  	_ =	shalt  }
0x4c: {  	_ =	shalt  }
0x4d: {  	_ =	shalt  }
0x4e: {  	_ =	shalt  }
0x4f: {  	_ =	shalt  }
0x50: {  	_ =	shalt  }
0x51: {  	_ =	shalt  }
0x52: {  	_ =	shalt  }
0x53: {  	_ =	shalt  }
0x54: {  	_ =	shalt  }
0x55: {  	_ =	shalt  }
0x56: {  	_ =	shalt  }
0x57: {  	_ =	shalt  }
0x58: {  	_ =	shalt  }
0x59: {  	_ =	shalt  }
0x5a: {  	_ =	shalt  }
0x5b: {  	_ =	shalt  }
0x5c: {  	_ =	shalt  }
0x5d: {  	_ =	shalt  }
0x5e: {  	_ =	shalt  }
0x5f: {  	_ =	shalt  }
0x60: {  	_ =	shalt  }
0x61: {  	_ =	shalt  }
0x62: {  	_ =	shalt  }
0x63: {  	_ =	shalt  }
0x64: {  	_ =	shalt  }
0x65: {  	_ =	shalt  }
0x66: {  	_ =	shalt  }
0x67: {  	_ =	shalt  }
0x68: {  	_ =	shalt  }
0x69: {  	_ =	shalt  }
0x6a: {  	_ =	shalt  }
0x6b: {  	_ =	shalt  }
0x6c: {  	_ =	shalt  }
0x6d: {  	_ =	shalt  }
0x6e: {  	_ =	shalt  }
0x6f: {  	_ =	shalt  }
0x70: {  	_ =	shalt  }
0x71: {  	_ =	shalt  }
0x72: {  	_ =	shalt  }
0x73: {  	_ =	shalt  }
0x74: {  	_ =	shalt  }
0x75: {  	_ =	shalt  }
0x76: {  	_ =	shalt  }
0x77: {  	_ =	shalt  }
0x78: {  	_ =	shalt  }
0x79: {  	_ =	shalt  }
0x7a: {  	_ =	shalt  }
0x7b: {  	_ =	shalt  }
0x7c: {  	_ =	shalt  }
0x7d: {  	_ =	shalt  }
0x7e: {  	_ =	shalt  }
0x7f: {  	_ =	shalt  }
0x80: {  	_ =	shalt  }
0x81: {  	_ =	shalt  }
0x82: {  	_ =	shalt  }
0x83: {  	_ =	shalt  }
0x84: {  	_ =	shalt  }
0x85: {  	_ =	shalt  }
0x86: {  	_ =	shalt  }
0x87: {  	_ =	shalt  }
.Lfunc_end0:
.L_simem_size_0:
called_computation_lowered:
.L_overlay_start_0:
0x88: {  	s2 =	sld [smem:$0x3FD9]  }
0x89: {  	s3 =	sld [smem:$0x3FFE];
	_ =	sdelay $0x1  }
0x8a: {  	s1 =	srdreg.scid  }
0x8b: {  	s0 =	sand.u32 $0x1, s1  }
0x8c: {  	s17 =	sshll.u32 s0, $0xA;
	s2 =	sadd.s32 s3, s2  }
0x8d: {  	s2 =	sadd.s32 s2, s17  }
0x8e: {  	[smem:$0x3FC2] =	sst s2  }
0x8f: {  	_ = 	snop  }
0x90: {  	s2 =	sld [smem:$0x3FC9]  }
0x91: {  	s18 =	sld [smem:$0x3FC8]  }
0x92: {  	s4 =	sld [smem:$0x3FC7];
	(tm) =	ssettm $0x1  }
0x93: {  	s5 =	sld [smem:$0x3FFB];
	_ =	sdelay $0x3  }
0x94: {  	_ =	strace s5  }
0x95: {  	s5 =	sld [smem:$0x3FFC];
	_ =	sdelay $0x3  }
0x96: {  	_ =	strace s5  }
0x97: {  	s5 =	sld [smem:$0x3FFD];
	_ =	sdelay $0x3  }
0x98: {  	_ =	strace s5  }
0x99: {  	_ =	strace $0x8FFFFFFF  }
0x9a: {  	s19 =	sld [smem:$0x3FDB];
	_ =	sdelay $0x1  }
0x9b: {  	s6 =	simm.s32 $_scs_section_size  }
0x9c: {  	s7 =	simm.s32 $_size__tile_overlayer_lowered;
	s8 =	simm.s32 $_tile_overlayer_lowered  }
0x9d: {  	s22 =	simm.s32 $0x1BFF;
	s21 =	sshll.u32 s8, $0x1;
	s5 =	sadd.s32 s6, s19  }
0x9e: {  	s9 =	simm.s32 $0x0;
	s20 =	sshll.u32 s7, $0x1;
	s7 =	sadd.s32 s21, s5  }
0x9f: {  	[timem:s9], [sflag:s22] =	dma.local [hbm:s7], s20  }
0xa0: {  	_ =	swait.ge [sflag:s22], s20  }
0xa1: {  	s6 =	ssub.s32 $0x0, s20;
	[sflag:s22] =	ssyncset.done $0x0  }
0xa2: {  	[sflag:s22] =	ssyncadd.s32 s6;
	_ =	sdelay $0x1  }
0xa3: {  	s23 =	simm.s32 $0x1B8B  }
0xa4: {  	_ =	swait.ge [sflag:s23], $0x1  }
0xa5: {  	[sflag:s23] =	ssyncset.done $0x0  }
0xa6: {  	s25 =	simm.s32 $0x1B8E;
	s24 =	sld [smem:$0x3FFE];
	[sflag:s23] =	ssyncadd.s32 $0xFFFFFFFF  }
0xa7: {  	s26 =	simm.s32 $execute0_lowered;
	[smem:$0x3FD2] =	sst s25  }
0xa8: {  	s7 =	sshll.u32 s26, $0x1;
	_ =	strace $0x80000046;
	[dreg:$0x1] =	wrdreg $0xFFFFFFFF  }
0xa9: {  	s28 =	simm.s32 $_size_execute0_lowered;
	s5 =	sadd.s32 s5, s7;
	[dreg:$0x0] =	wrdreg $0x0  }
0xaa: {  	s7 =	sshll.u32 s28, $0x1;
	[dreg:$0x2] =	wrdreg s5  }
0xab: {  	[dreg:$0x3] =	wrdreg s7  }
0xac: {  	[dreg:$0x4] =	wrdreg $0xC0  }
0xad: {  	_ =	task [dreg:s9], $0x5FFFF  }
0xae: {  	[dreg:$0x1] =	wrdreg $0xFFFFFFFF  }
0xaf: {  	[dreg:$0x0] =	wrdreg $0x60  }
0xb0: {  	[dreg:$0x2] =	wrdreg s2  }
0xb1: {  	[dreg:$0x3] =	wrdreg s18  }
0xb2: {  	[dreg:$0x4] =	wrdreg s4  }
0xb3: {  	[dreg:$0x5] =	wrdreg s24  }
0xb4: {  	[dreg:$0x6] =	wrdreg $0xA4000  }
0xb5: {  	[dreg:$0x7] =	wrdreg $0x9  }
0xb6: {  	_ =	task.clear_ibuf [dreg:s9], $0x8FFFF;
	_ =	strace $0x90000046  }
0xb7: {  	s29 =	simm.s32 $0x9;
	_ =	strace $0x80000048  }
0xb8: {  	_ =	swait.ge [sflag:s29], $0x1  }
0xb9: {  	[sflag:s29] =	ssyncadd.s32 $0xFFFFFFFF  }
0xba: {  	_ =	strace $0x90000048  }
0xbb: {  	_ =	sfence  }
0xbc: {  	s30 =	sld [smem:$0x0];
	_ =	sdelay $0x2  }
0xbd: {  	s31 =	sshll.u32 s1, $0xD;
	s1 =	sshrl.u32 s1, $0x2  }
0xbe: {  	s3 =	sand.u32 $0x4000, s31;
	s1 =	sadd.s32 s1, s30  }
0xbf: {  	s0 =	sor.u32 s3, s0;
	s1 =	sshll.u32 s1, $0x11  }
0xc0: {  	s0 =	sor.u32 s1, s0  }
0xc1: {  	s0 =	sadd.s32 $0x8F2B, s0  }
0xc2: {  	[sflag:s0] =	ssyncadd.remote.s32 $0x1  }
0xc3: {  	_ =	sfence.sel $0xFFFF  }
0xc4: {  	[dreg:$0x0] =	wrdreg $0xFFFFFFFF;
	(pc) =	sbr.abs _section_cstart, $3  }
0xc5: {  	[dreg:$0x1] =	wrdreg $0xFFFFFFFF  }
0xc6: {  	_ =	task.clear_ibuf [dreg:s9], $0x2FFFF;
	_ =	strace $0x9FFFFFFF  }
0xc7: {  	(tm) =	ssettm $0x7FFFFFFF  }
tec
execute0_lowered:
.L_overlay_start_1:
0x0: {  	(tag) =	ssettag $0x1  }
0x1: {  	s0 =	rddreg [dreg:$0x0]  }
0x2: {  	s2 =	rddreg [dreg:$0x1]  }
0x3: {  	s4 =	rddreg [dreg:$0x2]  }
0x4: {  	s1 =	rddreg [dreg:$0x3]  }
0x5: {  	s5 =	rddreg [dreg:$0x4];
	s14 =	stileid.u32  }
0x6: {  	s7 =	srdreg.scid;
	s6 =	simm.s32 $0x0;
	s28 =	simm.s32 $0x200  }
0x7: {  	s30 =	simm.s32 $0x280;
	s31 =	simm.s32 $0x380;
	s3 =	smul.u32 $0x13C00, s14  }
0x8: {  	s8 =	sand.u32 $0x1, s7;
	[smem:$0x7FF] =	sst s6;
	s11 =	smul.u32 $0x4E200, s14  }
0x9: {  	s7 =	sadd.s32 $0x800, s1;
	s26 =	sshll.u32 s14, $0x6;
	s10 =	smul.u32 $0x13C000, s8  }
0xa: {  	_ =	strace $0x80000047;
	s25 =	sshll.u32 s8, $0x4;
	s12 =	ssub.s32 $0x2, s8  }
0xb: {  	s18 =	sor.u32 $0x1C07, s26;
	s9 =	sshrl.u32 s3, $0x3;
	s13 =	sshrl.u32 s12, $0x1  }
0xc: {  	s11 =	sshrl.u32 s11, $0x2;
	[dreg:$0x8] =	wrdreg s18;
	s9 =	sadd.s32 s9, s1  }
0xd: {  	s3 =	sadd.s32 s3, s10;
	s10 =	sor.u32 s14, s25;
	s11 =	sadd.s32 s11, s5  }
0xe: {  	s14 =	simm.s32 $0x5;
	s3 =	sshrl.u32 s3, $0x3;
	s8 =	smul.u32 $0x2710, s10  }
0xf: {  	[dreg:$0x6] =	wrdreg s11;
	s9 =	sadd.s32 $0x4E2800, s9;
	s10 =	smul.u32 $0x27100, s10  }
0x10: {  	s1 =	sadd.s32 s3, s1;
	s3 =	ssub.s32 s12, s13;
	[dreg:$0x7] =	wrdreg s9  }
0x11: {  	s13 =	simm.s32 $0x7C00;
	s29 =	sshrl.u32 s8, $0x3;
	s10 =	sadd.s32 s7, s10  }
0x12: {  	s16 =	sadd.s32 $0x50, s8;
	s1 =	sadd.s32 $0x50A000, s1;
	[dreg:$0x11] =	wrdreg s10  }
0x13: {  	s15 =	sadd.s32 s2, s29;
	s17 =	sadd.s32 s4, s29;
	[dreg:$0x13] =	wrdreg s1  }
0x14: {  	s19 =	sshrl.u32 s16, $0x3;
	s20 =	sadd.s32 $0x14, s29;
	[dreg:$0x9] =	wrdreg s15  }
0x15: {  	s12 =	sadd.s32 $0x1E, s29;
	s29 =	smax.u32 s3, $0x1;
	[dreg:$0xa] =	wrdreg s17  }
0x16: {  	s9 =	sshll.u32 s16, $0x4;
	s21 =	sadd.s32 s2, s19;
	[dreg:$0x14] =	wrdreg s29  }
0x17: {  	s3 =	simm.s32 $0x300;
	s22 =	sadd.s32 s4, s19;
	[dreg:$0xb] =	wrdreg s21  }
0x18: {  	s1 =	simm.s32 $0x1;
	s23 =	sadd.s32 s2, s20;
	[dreg:$0xc] =	wrdreg s22  }
0x19: {  	s10 =	simm.s32 $0x5400;
	s24 =	sadd.s32 s4, s20;
	[dreg:$0xd] =	wrdreg s23  }
.Ltmp0:
0x1a: {  	s25 =	sadd.s32 s2, s12;
	[dreg:$0xe] =	wrdreg s24;
	(pc) =	sbr.rel .LBB2_1-.Ltmp0, $4  }
0x1b: {  	s16 =	simm.s32 $0x0;
	s26 =	sadd.s32 s4, s12;
	[dreg:$0xf] =	wrdreg s25  }
0x1c: {  	s9 =	sadd.s32 s7, s9;
	s12 =	simm.s32 $0x2;
	[dreg:$0x10] =	wrdreg s26  }
0x1d: {  	s15 =	simm.s32 $0x6;
	[dreg:$0x12] =	wrdreg s9;
	s22 =	sadd.s32 $0x1E0, s8  }
0x1e: {  	s23 =	sadd.s32 $0x230, s8;
	s26 =	simm.s32 $0x7;
	s9 =	simm.s32 $0x50  }
.LBB2_18:
0x1f: {  	[bflag:$0x0] =	sbarrier.arrive $0xFFFF  }
0x20: {  	s18 =	rddreg [dreg:$0x8]  }
0x21: {  	s11 =	rddreg [dreg:$0x13]  }
0x22: {  	[hbm:s11], [sflag:s18] =	dma.local [spmem:s17], $0x2710  }
0x23: {  	_ =	swait.ge [sflag:s26], $0x2710  }
0x24: {  	s16 =	sadd.s32 $0x1, s16;
	s29 =	rddreg [dreg:$0x14]  }
0x25: {  	p0 =	sne.s32 s16, s29  }
.Ltmp1:
0x26: {  	_ = 	snop;
	(pc) =	sbr.rel @!p0 .LBB2_19-.Ltmp1, $3  }
0x27: {  	_ =	sdelay $0x1  }
0x28: {  	[sflag:s26] =	ssyncset.done $0x0  }
0x29: {  	[sflag:s26] =	ssyncadd.s32 $0xFFFFD8F0  }
.LBB2_1:
0x2a: {  	s11 =	rddreg [dreg:$0x6]  }
0x2b: {  	s25 =	rddreg [dreg:$0x7];
	s17 =	sshrl.u32 s11, $0x3  }
0x2c: {  	[spmem:s17], [sflag:s18] =	dma.local [hbm:s25], $0x2710  }
0x2d: {  	_ =	swait.ge [sflag:s26], $0x2710  }
0x2e: {  	[sflag:s26] =	ssyncset.done $0x0  }
0x2f: {  	s29 =	rddreg [dreg:$0x9];
	[sflag:s26] =	ssyncadd.s32 $0xFFFFD8F0  }
0x30: {  	[tilespmem:s6], [sflag:$0x1] =	stream.linear.gather [hbm4b:s29+s6], $0x50, $0x38;
	[tilespmem:$0x1DC80] =	vst v63  }
0x31: {  	s18 =	rddreg [dreg:$0xa]  }
0x32: {  	[tilespmem:s28], [sflag:$0x1] =	stream.linear.gather [hbm4b:s18+s6], $0x50, $0x38;
	[tilespmem:$0x1DC80] =	vst v63  }
0x33: {  	s19 =	rddreg [dreg:$0xb];
	s18 =	simm.s32 $0x80  }
0x34: {  	[tilespmem:s18], [sflag:$0x2] =	stream.linear.gather [hbm4b:s19+s6], $0x50, $0x38;
	[tilespmem:$0x1DC80] =	vst v63  }
0x35: {  	s20 =	rddreg [dreg:$0xc]  }
0x36: {  	[tilespmem:s30], [sflag:$0x2] =	stream.linear.gather [hbm4b:s20+s6], $0x50, $0x38;
	[tilespmem:$0x1DC80] =	vst v63  }
0x37: {  	s21 =	rddreg [dreg:$0xd];
	s19 =	simm.s32 $0x100  }
0x38: {  	[tilespmem:s19], [sflag:$0x3] =	stream.linear.gather [hbm4b:s21+s6], $0x50, $0x38;
	[tilespmem:$0x1DC80] =	vst v63  }
0x39: {  	s24 =	rddreg [dreg:$0xe]  }
0x3a: {  	[tilespmem:s3], [sflag:$0x3] =	stream.linear.gather [hbm4b:s24+s6], $0x50, $0x38;
	[tilespmem:$0x1DC80] =	vst v63  }
0x3b: {  	s25 =	rddreg [dreg:$0xf];
	s29 =	simm.s32 $0x180  }
0x3c: {  	[tilespmem:s29], [sflag:$0x4] =	stream.linear.gather [hbm4b:s25+s6], $0x50, $0x38;
	[tilespmem:$0x1DC80] =	vst v63  }
0x3d: {  	s20 =	rddreg [dreg:$0x10]  }
0x3e: {  	[tilespmem:s31], [sflag:$0x4] =	stream.linear.gather [hbm4b:s20+s6], $0x50, $0x38;
	[tilespmem:$0x1DC80] =	vst v63  }
0x3f: {  	_ =	swait.ge [sflag:s1], $0x50  }
0x40: {  	[sflag:s1] =	ssyncset.done $0x0  }
0x41: {  	[sflag:s1] =	ssyncadd.s32 $0xFFFFFFB0  }
0x42: {  	_ =	swait.ge [sflag:s1], $0x50  }
0x43: {  	[sflag:s1] =	ssyncset.done $0x0  }
0x44: {  	s21 =	simm.s32 $0x400;
	[sflag:s1] =	ssyncadd.s32 $0xFFFFFFB0  }
0x45: {  	[tilespmem:s21], [sflag:$0x5] =	stream.indirect.gather [hbm4b:s0+s9], $0x80, s6, s9, $0xb8;
	[tilespmem:$0x1DC80] =	vst v63  }
0x46: {  	s24 =	rddreg [dreg:$0x11]  }
0x47: {  	[tilespmem:s10], [sflag:$0x5] =	stream.linear.gather [hbm4b:s24+s6], $0x2800, $0x38;
	[tilespmem:$0x1DC80] =	vst v63  }
0x48: {  	_ =	swait.ge [sflag:s12], $0x50  }
0x49: {  	[sflag:s12] =	ssyncset.done $0x0  }
0x4a: {  	[sflag:s12] =	ssyncadd.s32 $0xFFFFFFB0  }
0x4b: {  	_ =	swait.ge [sflag:s12], $0x50  }
0x4c: {  	[sflag:s12] =	ssyncset.done $0x0  }
0x4d: {  	s25 =	simm.s32 $0x2C00;
	[sflag:s12] =	ssyncadd.s32 $0xFFFFFFB0  }
0x4e: {  	[tilespmem:s25], [sflag:$0x6] =	stream.indirect.gather [hbm4b:s0+s9], $0x80, s18, s9, $0xb8;
	[tilespmem:$0x1DC80] =	vst v63  }
.Ltmp2:
0x4f: {  	_ = 	snop;
	(pc) =	sbr.rel .LBB2_2-.Ltmp2, $4  }
0x50: {  	s29 =	rddreg [dreg:$0x12]  }
0x51: {  	[tilespmem:s13], [sflag:$0x6] =	stream.linear.gather [hbm4b:s29+s6], $0x2800, $0x38;
	[tilespmem:$0x1DC80] =	vst v63  }
0x52: {  	[bflag:$0x0] =	sbarrier.arrive $0xFFFF  }
0x53: {  	s18 =	simm.s32 $0x0  }
.LBB2_17:
0x54: {  	s11 =	simm.s32 @p1 $0x2  }
0x55: {  	_ =	swait.ge @p1 [sflag:s11], $0x50  }
0x56: {  	[sflag:s11] =	ssyncset.done @p1 $0x0  }
0x57: {  	[sflag:s11] =	ssyncadd.s32 @p1 $0xFFFFFFB0  }
0x58: {  	_ =	swait.ge @p1 [sflag:s11], $0x50  }
0x59: {  	s21 =	simm.s32 @p1 $0x80;
	s24 =	simm.s32 @p1 $0x2C00;
	[sflag:s11] =	ssyncset.done @p1 $0x0  }
0x5a: {  	s19 =	smul.u32 @p1 $0x50, s19;
	[sflag:s11] =	ssyncadd.s32 @p1 $0xFFFFFFB0;
	s11 =	simm.s32 @p1 $0x50  }
0x5b: {  	[tilespmem:s24], [sflag:$0x6] =	stream.indirect.gather @p1 [hbm4b:s0+s11], $0x80, s21, s11, $0xb8;
	[tilespmem:$0x1DC80] =	vst v63  }
0x5c: {  	s11 =	sadd.s32 @p1 s8, s19  }
0x5d: {  	s11 =	sshll.u32 @p1 s11, $0x4  }
0x5e: {  	s18 =	sadd.s32 $0x1, s18;
	s19 =	simm.s32 @p1 $0x7C00;
	s11 =	sadd.s32 @p1 s7, s11  }
0x5f: {  	[tilespmem:s19], [sflag:$0x6] =	stream.linear.gather @p1 [hbm4b:s11+s29], $0x2800, $0x38;
	[tilespmem:$0x1DC80] =	vst v63  }
0x60: {  	p0 =	sne.s32 s18, $0x20;
	s11 =	sadd.s32 @p1 s20, s23  }
.Ltmp3:
0x61: {  	s11 =	sshrl.u32 @p1 s11, $0x3;
	(pc) =	sbr.rel @!p0 .LBB2_18-.Ltmp3, $4  }
0x62: {  	s20 =	simm.s32 @p1 $0x180;
	s19 =	sadd.s32 @p1 s2, s11  }
0x63: {  	[tilespmem:s20], [sflag:$0x4] =	stream.linear.gather @p1 [hbm4b:s19+s29], $0x50, $0x38;
	[tilespmem:$0x1DC80] =	vst v63  }
0x64: {  	s11 =	sadd.s32 @p1 s4, s11;
	s19 =	simm.s32 @p1 $0x380  }
0x65: {  	[tilespmem:s19], [sflag:$0x4] =	stream.linear.gather @p1 [hbm4b:s11+s29], $0x50, $0x38;
	[tilespmem:$0x1DC80] =	vst v63  }
.LBB2_2:
0x66: {  	_ =	swait.ge [sflag:s14], $0x2800  }
0x67: {  	[sflag:s14] =	ssyncset.done $0x0  }
0x68: {  	[sflag:s14] =	ssyncadd.s32 $0xFFFFD800  }
0x69: {  	_ =	swait.ge [sflag:s14], $0x2800  }
0x6a: {  	[sflag:s14] =	ssyncset.done $0x0  }
0x6b: {  	s19 =	simm.s32 $0x0;
	[sflag:s14] =	ssyncadd.s32 $0xFFFFD800  }
0x6c: {  	v7 =	vld [tilespmem:s19+$0x400]  }
0x6d: {  	v11 =	vld [tilespmem:s19+$0x410]  }
0x6e: {  	v5 =	vld [tilespmem:s19+$0x420]  }
0x6f: {  	v4 =	vld [tilespmem:s19+$0x430]  }
0x70: {  	v3 =	vld [tilespmem:s19+$0x440]  }
0x71: {  	v2 =	vld [tilespmem:s19+$0x450]  }
0x72: {  	v1 =	vld [tilespmem:s19+$0x460]  }
0x73: {  	v0 =	vld [tilespmem:s19+$0x470]  }
0x74: {  	v12 =	vld [tilespmem:s19+$0x5400]  }
0x75: {  	v13 =	vld [tilespmem:s19+$0x5410]  }
0x76: {  	v10 =	vld [tilespmem:s19+$0x5420]  }
0x77: {  	v9 =	vld [tilespmem:s19+$0x5430]  }
0x78: {  	v8 =	vld [tilespmem:s19+$0x5440]  }
0x79: {  	v6 =	vld [tilespmem:s19+$0x5450];
	v12 =	vmul.f32 v7, v12  }
0x7a: {  	s20 =	simm.s32 $0x200;
	v11 =	vmul.f32 v11, v13;
	v7 =	vld [tilespmem:s19+$0x5460]  }
.LBB2_3:
0x7b: {  	s21 =	sshra.s32 s20, $0x2;
	p0 =	sne.s32 s20, $0x9E00;
	[tilespmem:s19+$0x5400] =	vst v12;
	v5 =	vmul.f32 v5, v10;
	v10 =	vld [tilespmem:s19+$0x5470]  }
0x7c: {  	v12 =	vld [tilespmem:s21+$0x400];
	[tilespmem:s19+$0x5410] =	vst v11;
	v4 =	vmul.f32 v4, v9  }
0x7d: {  	v11 =	vld [tilespmem:s21+$0x410];
	[tilespmem:s19+$0x5420] =	vst v5;
	v3 =	vmul.f32 v3, v8  }
0x7e: {  	v5 =	vld [tilespmem:s21+$0x420];
	[tilespmem:s19+$0x5430] =	vst v4;
	v2 =	vmul.f32 v2, v6  }
0x7f: {  	v4 =	vld [tilespmem:s21+$0x430];
	[tilespmem:s19+$0x5440] =	vst v3;
	v1 =	vmul.f32 v1, v7  }
0x80: {  	v3 =	vld [tilespmem:s21+$0x440];
	[tilespmem:s19+$0x5450] =	vst v2;
	v0 =	vmul.f32 v0, v10  }
0x81: {  	v2 =	vld [tilespmem:s21+$0x450];
	[tilespmem:s19+$0x5460] =	vst v1  }
0x82: {  	v1 =	vld [tilespmem:s21+$0x460];
	[tilespmem:s19+$0x5470] =	vst v0;
	s19 =	smov.u32 s21  }
0x83: {  	v0 =	vld [tilespmem:s19+$0x470]  }
0x84: {  	v6 =	vld [tilespmem:s19+$0x5400]  }
0x85: {  	v7 =	vld [tilespmem:s19+$0x5410]  }
.Ltmp4:
0x86: {  	v10 =	vld [tilespmem:s19+$0x5420];
	(pc) =	sbr.rel @p0 .LBB2_3-.Ltmp4, $4  }
0x87: {  	v9 =	vld [tilespmem:s19+$0x5430]  }
0x88: {  	v8 =	vld [tilespmem:s19+$0x5440]  }
0x89: {  	v12 =	vmul.f32 v12, v6;
	v6 =	vld [tilespmem:s19+$0x5450]  }
0x8a: {  	s20 =	sadd.s32 $0x200, s20;
	v11 =	vmul.f32 v11, v7;
	v7 =	vld [tilespmem:s19+$0x5460]  }
0x8b: {  	[tilespmem:s19+$0x5400] =	vst v12;
	v5 =	vmul.f32 v5, v10;
	v63 =	vld [tilespmem:s19+$0x5470]  }
0x8c: {  	[tilespmem:s19+$0x5410] =	vst v11;
	v4 =	vmul.f32 v4, v9  }
0x8d: {  	[tilespmem:s19+$0x5420] =	vst v5;
	v3 =	vmul.f32 v3, v8  }
0x8e: {  	[tilespmem:s19+$0x5430] =	vst v4;
	v2 =	vmul.f32 v2, v6  }
0x8f: {  	[tilespmem:s19+$0x5440] =	vst v3;
	v1 =	vmul.f32 v1, v7  }
0x90: {  	[tilespmem:s19+$0x5450] =	vst v2;
	v0 =	vmul.f32 v0, v63  }
0x91: {  	[tilespmem:s19+$0x5460] =	vst v1  }
0x92: {  	[tilespmem:s19+$0x5470] =	vst v0;
	s19 =	sshll.u32 s18, $0x2  }
0x93: {  	[spmem:s5] =	stream.indirect.scatter.add.f32 [tilespmem:s10], [sflag:$0x7], $0x80, s28, s9, $0xb8;
	[tilespmem:$0x1DC80] =	vst v63  }
0x94: {  	s20 =	sor.u32 $0x2, s19;
	_ =	swait.ge [sflag:s26], $0x2800  }
0x95: {  	p2 =	sgt.u32 s20, $0x7C;
	[sflag:s26] =	ssyncset.done $0x0  }
0x96: {  	s21 =	simm.s32 @!p2 $0x3;
	[sflag:s26] =	ssyncadd.s32 $0xFFFFD800  }
0x97: {  	_ =	swait.ge @!p2 [sflag:s21], $0x50  }
0x98: {  	s20 =	smul.u32 @!p2 $0x50, s20;
	[sflag:s21] =	ssyncset.done @!p2 $0x0  }
0x99: {  	p0 =	seq.s32 s18, $0x1F;
	s24 =	simm.s32 @!p2 $0x100;
	[sflag:s21] =	ssyncadd.s32 @!p2 $0xFFFFFFB0  }
0x9a: {  	s29 =	simm.s32 @!p2 $0x400;
	s20 =	sadd.s32 @!p2 s8, s20;
	_ =	swait.ge @!p2 [sflag:s21], $0x50  }
.Ltmp5:
0x9b: {  	s20 =	sshll.u32 @!p2 s20, $0x4;
	[sflag:s21] =	ssyncset.done @!p2 $0x0;
	(pc) =	sbr.rel @!p0 .LBB2_6-.Ltmp5, $4  }
0x9c: {  	s20 =	sadd.s32 @!p2 s7, s20;
	[sflag:s21] =	ssyncadd.s32 @!p2 $0xFFFFFFB0;
	s21 =	simm.s32 @!p2 $0x50  }
0x9d: {  	[tilespmem:s29], [sflag:$0x5] =	stream.indirect.gather @!p2 [hbm4b:s0+s21], $0x80, s24, s21, $0xb8;
	[tilespmem:$0x1DC80] =	vst v63  }
0x9e: {  	s21 =	simm.s32 @!p2 $0x0;
	s24 =	simm.s32 @!p2 $0x5400;
	s29 =	sadd.s32 $0x4, s19  }
0x9f: {  	[tilespmem:s24], [sflag:$0x5] =	stream.linear.gather @!p2 [hbm4b:s20+s21], $0x2800, $0x38;
	[tilespmem:$0x1DC80] =	vst v63  }
.Ltmp6:
0xa0: {  	(pc) =	sbr.rel .LBB2_9-.Ltmp6, $2  }
0xa1: {  	_ =	sdelay $0x2  }
0xa2: {  	s19 =	simm.s32 $0x81;
	p1 =	por $0x0, $0x0;
	p3 =	por $0x0, $0x0  }
.LBB2_6:
0xa3: {  	s20 =	smul.u32 $0x50, s29;
	_ =	sdelay $0x1  }
0xa4: {  	s20 =	sadd.s32 s8, s20  }
0xa5: {  	s20 =	sshrl.u32 s20, $0x3  }
0xa6: {  	s24 =	simm.s32 $0x0;
	s21 =	sadd.s32 s2, s20  }
0xa7: {  	[tilespmem:s24], [sflag:$0x1] =	stream.linear.gather [hbm4b:s21+s24], $0x50, $0x38;
	[tilespmem:$0x1DC80] =	vst v63  }
0xa8: {  	s20 =	sadd.s32 s4, s20  }
0xa9: {  	[tilespmem:s28], [sflag:$0x1] =	stream.linear.gather [hbm4b:s20+s24], $0x50, $0x38;
	[tilespmem:$0x1DC80] =	vst v63  }
0xaa: {  	_ =	swait.ge [sflag:s15], $0x2800  }
0xab: {  	[sflag:s15] =	ssyncset.done $0x0  }
0xac: {  	[sflag:s15] =	ssyncadd.s32 $0xFFFFD800  }
0xad: {  	_ =	swait.ge [sflag:s15], $0x2800  }
0xae: {  	[sflag:s15] =	ssyncset.done $0x0  }
0xaf: {  	s20 =	simm.s32 $0x0;
	[sflag:s15] =	ssyncadd.s32 $0xFFFFD800  }
0xb0: {  	v7 =	vld [tilespmem:s20+$0x2C00]  }
0xb1: {  	v11 =	vld [tilespmem:s20+$0x2C10]  }
0xb2: {  	v5 =	vld [tilespmem:s20+$0x2C20]  }
0xb3: {  	v4 =	vld [tilespmem:s20+$0x2C30]  }
0xb4: {  	v3 =	vld [tilespmem:s20+$0x2C40]  }
0xb5: {  	v2 =	vld [tilespmem:s20+$0x2C50]  }
0xb6: {  	v1 =	vld [tilespmem:s20+$0x2C60]  }
0xb7: {  	v0 =	vld [tilespmem:s20+$0x2C70]  }
0xb8: {  	v12 =	vld [tilespmem:s20+$0x7C00]  }
0xb9: {  	v13 =	vld [tilespmem:s20+$0x7C10]  }
0xba: {  	v10 =	vld [tilespmem:s20+$0x7C20]  }
0xbb: {  	v9 =	vld [tilespmem:s20+$0x7C30]  }
0xbc: {  	v8 =	vld [tilespmem:s20+$0x7C40]  }
0xbd: {  	v6 =	vld [tilespmem:s20+$0x7C50];
	v12 =	vmul.f32 v7, v12  }
0xbe: {  	s21 =	simm.s32 $0x200;
	v11 =	vmul.f32 v11, v13;
	v7 =	vld [tilespmem:s20+$0x7C60]  }
.LBB2_7:
0xbf: {  	s24 =	sshra.s32 s21, $0x2;
	p1 =	sne.s32 s21, $0x9E00;
	[tilespmem:s20+$0x7C00] =	vst v12;
	v5 =	vmul.f32 v5, v10;
	v10 =	vld [tilespmem:s20+$0x7C70]  }
0xc0: {  	v12 =	vld [tilespmem:s24+$0x2C00];
	[tilespmem:s20+$0x7C10] =	vst v11;
	v4 =	vmul.f32 v4, v9  }
0xc1: {  	v11 =	vld [tilespmem:s24+$0x2C10];
	[tilespmem:s20+$0x7C20] =	vst v5;
	v3 =	vmul.f32 v3, v8  }
0xc2: {  	v5 =	vld [tilespmem:s24+$0x2C20];
	[tilespmem:s20+$0x7C30] =	vst v4;
	v2 =	vmul.f32 v2, v6  }
0xc3: {  	v4 =	vld [tilespmem:s24+$0x2C30];
	[tilespmem:s20+$0x7C40] =	vst v3;
	v1 =	vmul.f32 v1, v7  }
0xc4: {  	v3 =	vld [tilespmem:s24+$0x2C40];
	[tilespmem:s20+$0x7C50] =	vst v2;
	v0 =	vmul.f32 v0, v10  }
0xc5: {  	v2 =	vld [tilespmem:s24+$0x2C50];
	[tilespmem:s20+$0x7C60] =	vst v1  }
0xc6: {  	v1 =	vld [tilespmem:s24+$0x2C60];
	[tilespmem:s20+$0x7C70] =	vst v0;
	s20 =	smov.u32 s24  }
0xc7: {  	v0 =	vld [tilespmem:s20+$0x2C70]  }
0xc8: {  	v6 =	vld [tilespmem:s20+$0x7C00]  }
0xc9: {  	v7 =	vld [tilespmem:s20+$0x7C10]  }
.Ltmp7:
0xca: {  	v10 =	vld [tilespmem:s20+$0x7C20];
	(pc) =	sbr.rel @p1 .LBB2_7-.Ltmp7, $4  }
0xcb: {  	v9 =	vld [tilespmem:s20+$0x7C30]  }
0xcc: {  	v8 =	vld [tilespmem:s20+$0x7C40]  }
0xcd: {  	v12 =	vmul.f32 v12, v6;
	v6 =	vld [tilespmem:s20+$0x7C50]  }
0xce: {  	s21 =	sadd.s32 $0x200, s21;
	v11 =	vmul.f32 v11, v7;
	v7 =	vld [tilespmem:s20+$0x7C60]  }
0xcf: {  	[tilespmem:s20+$0x7C00] =	vst v12;
	v5 =	vmul.f32 v5, v10;
	v63 =	vld [tilespmem:s20+$0x7C70]  }
0xd0: {  	[tilespmem:s20+$0x7C10] =	vst v11;
	v4 =	vmul.f32 v4, v9  }
0xd1: {  	[tilespmem:s20+$0x7C20] =	vst v5;
	v3 =	vmul.f32 v3, v8  }
0xd2: {  	[tilespmem:s20+$0x7C30] =	vst v4;
	v2 =	vmul.f32 v2, v6  }
0xd3: {  	[tilespmem:s20+$0x7C40] =	vst v3;
	v1 =	vmul.f32 v1, v7  }
0xd4: {  	[tilespmem:s20+$0x7C50] =	vst v2;
	v0 =	vmul.f32 v0, v63  }
0xd5: {  	[tilespmem:s20+$0x7C60] =	vst v1  }
0xd6: {  	[tilespmem:s20+$0x7C70] =	vst v0  }
0xd7: {  	[spmem:s5] =	stream.indirect.scatter.add.f32 [tilespmem:s13], [sflag:$0x7], $0x80, s30, s9, $0xb8;
	[tilespmem:$0x1DC80] =	vst v63  }
0xd8: {  	s20 =	sor.u32 $0x3, s19;
	_ =	swait.ge [sflag:s26], $0x2800  }
0xd9: {  	p1 =	sgt.u32 s20, $0x7C;
	[sflag:s26] =	ssyncset.done $0x0  }
0xda: {  	s21 =	simm.s32 @!p1 $0x4;
	[sflag:s26] =	ssyncadd.s32 $0xFFFFD800  }
0xdb: {  	_ =	swait.ge @!p1 [sflag:s21], $0x50  }
0xdc: {  	s11 =	smul.u32 @!p1 $0x50, s20;
	[sflag:s21] =	ssyncset.done @!p1 $0x0  }
0xdd: {  	p4 =	sgt.u32 s18, $0x1D;
	s19 =	sadd.s32 $0x5, s19;
	[sflag:s21] =	ssyncadd.s32 @!p1 $0xFFFFFFB0  }
0xde: {  	s24 =	simm.s32 @!p1 $0x180;
	s11 =	sadd.s32 @!p1 s8, s11;
	_ =	swait.ge @!p1 [sflag:s21], $0x50  }
0xdf: {  	s25 =	simm.s32 @!p1 $0x2C00;
	s11 =	sshll.u32 @!p1 s11, $0x4;
	[sflag:s21] =	ssyncset.done @!p1 $0x0  }
0xe0: {  	s11 =	sadd.s32 @!p1 s7, s11;
	[sflag:s21] =	ssyncadd.s32 @!p1 $0xFFFFFFB0;
	s21 =	simm.s32 @!p1 $0x50  }
0xe1: {  	[tilespmem:s25], [sflag:$0x6] =	stream.indirect.gather @!p1 [hbm4b:s0+s21], $0x80, s24, s21, $0xb8;
	[tilespmem:$0x1DC80] =	vst v63  }
0xe2: {  	s21 =	simm.s32 @!p1 $0x0;
	s24 =	simm.s32 @!p1 $0x7C00;
	s25 =	smul.u32 @!p4 $0x50, s19  }
0xe3: {  	[tilespmem:s24], [sflag:$0x6] =	stream.linear.gather @!p1 [hbm4b:s11+s21], $0x2800, $0x38;
	[tilespmem:$0x1DC80] =	vst v63  }
0xe4: {  	p5 =	por @!p4 $0x1, $0x1;
	p3 =	slt.u32 s20, $0x7D;
	s11 =	sadd.s32 @!p4 s8, s25  }
0xe5: {  	p3 =	por @!p4 p5, p5;
	s24 =	simm.s32 @!p4 $0x0;
	s11 =	sshrl.u32 @!p4 s11, $0x3  }
0xe6: {  	s25 =	simm.s32 @!p4 $0x80;
	p1 =	por $0x0, $0x0;
	s21 =	sadd.s32 @!p4 s2, s11  }
0xe7: {  	[tilespmem:s25], [sflag:$0x2] =	stream.linear.gather @!p4 [hbm4b:s21+s24], $0x50, $0x38;
	[tilespmem:$0x1DC80] =	vst v63  }
0xe8: {  	p1 =	por @!p4 p5, p5;
	s11 =	sadd.s32 @!p4 s4, s11;
	s21 =	simm.s32 @!p4 $0x280  }
0xe9: {  	[tilespmem:s21], [sflag:$0x2] =	stream.linear.gather @!p4 [hbm4b:s11+s24], $0x50, $0x38;
	[tilespmem:$0x1DC80] =	vst v63  }
.LBB2_9:
.Ltmp8:
0xea: {  	(pc) =	sbr.rel @p2 .LBB2_13-.Ltmp8, $1  }
0xeb: {  	_ =	sdelay $0x3  }
0xec: {  	_ =	swait.ge [sflag:s14], $0x2800  }
0xed: {  	[sflag:s14] =	ssyncset.done $0x0  }
0xee: {  	[sflag:s14] =	ssyncadd.s32 $0xFFFFD800  }
0xef: {  	_ =	swait.ge [sflag:s14], $0x2800  }
0xf0: {  	[sflag:s14] =	ssyncset.done $0x0  }
0xf1: {  	s20 =	simm.s32 $0x0;
	[sflag:s14] =	ssyncadd.s32 $0xFFFFD800  }
0xf2: {  	v7 =	vld [tilespmem:s20+$0x400]  }
0xf3: {  	v11 =	vld [tilespmem:s20+$0x410]  }
0xf4: {  	v5 =	vld [tilespmem:s20+$0x420]  }
0xf5: {  	v4 =	vld [tilespmem:s20+$0x430]  }
0xf6: {  	v3 =	vld [tilespmem:s20+$0x440]  }
0xf7: {  	v2 =	vld [tilespmem:s20+$0x450]  }
0xf8: {  	v1 =	vld [tilespmem:s20+$0x460]  }
0xf9: {  	v0 =	vld [tilespmem:s20+$0x470]  }
0xfa: {  	v12 =	vld [tilespmem:s20+$0x5400]  }
0xfb: {  	v13 =	vld [tilespmem:s20+$0x5410]  }
0xfc: {  	v10 =	vld [tilespmem:s20+$0x5420]  }
0xfd: {  	v9 =	vld [tilespmem:s20+$0x5430]  }
0xfe: {  	v8 =	vld [tilespmem:s20+$0x5440]  }
0xff: {  	v6 =	vld [tilespmem:s20+$0x5450];
	v12 =	vmul.f32 v7, v12  }
0x100: {  	s21 =	simm.s32 $0x200;
	v11 =	vmul.f32 v11, v13;
	v7 =	vld [tilespmem:s20+$0x5460]  }
.LBB2_11:
0x101: {  	s11 =	sshra.s32 s21, $0x2;
	p2 =	sne.s32 s21, $0x9E00;
	[tilespmem:s20+$0x5400] =	vst v12;
	v5 =	vmul.f32 v5, v10;
	v10 =	vld [tilespmem:s20+$0x5470]  }
0x102: {  	v12 =	vld [tilespmem:s11+$0x400];
	[tilespmem:s20+$0x5410] =	vst v11;
	v4 =	vmul.f32 v4, v9  }
0x103: {  	v11 =	vld [tilespmem:s11+$0x410];
	[tilespmem:s20+$0x5420] =	vst v5;
	v3 =	vmul.f32 v3, v8  }
0x104: {  	v5 =	vld [tilespmem:s11+$0x420];
	[tilespmem:s20+$0x5430] =	vst v4;
	v2 =	vmul.f32 v2, v6  }
0x105: {  	v4 =	vld [tilespmem:s11+$0x430];
	[tilespmem:s20+$0x5440] =	vst v3;
	v1 =	vmul.f32 v1, v7  }
0x106: {  	v3 =	vld [tilespmem:s11+$0x440];
	[tilespmem:s20+$0x5450] =	vst v2;
	v0 =	vmul.f32 v0, v10  }
0x107: {  	v2 =	vld [tilespmem:s11+$0x450];
	[tilespmem:s20+$0x5460] =	vst v1  }
0x108: {  	v1 =	vld [tilespmem:s11+$0x460];
	[tilespmem:s20+$0x5470] =	vst v0;
	s20 =	smov.u32 s11  }
0x109: {  	v0 =	vld [tilespmem:s20+$0x470]  }
0x10a: {  	v6 =	vld [tilespmem:s20+$0x5400]  }
0x10b: {  	v7 =	vld [tilespmem:s20+$0x5410]  }
.Ltmp9:
0x10c: {  	v10 =	vld [tilespmem:s20+$0x5420];
	(pc) =	sbr.rel @p2 .LBB2_11-.Ltmp9, $4  }
0x10d: {  	v9 =	vld [tilespmem:s20+$0x5430]  }
0x10e: {  	v8 =	vld [tilespmem:s20+$0x5440]  }
0x10f: {  	v12 =	vmul.f32 v12, v6;
	v6 =	vld [tilespmem:s20+$0x5450]  }
0x110: {  	s21 =	sadd.s32 $0x200, s21;
	v11 =	vmul.f32 v11, v7;
	v7 =	vld [tilespmem:s20+$0x5460]  }
0x111: {  	[tilespmem:s20+$0x5400] =	vst v12;
	v5 =	vmul.f32 v5, v10;
	v63 =	vld [tilespmem:s20+$0x5470]  }
0x112: {  	[tilespmem:s20+$0x5410] =	vst v11;
	v4 =	vmul.f32 v4, v9  }
0x113: {  	[tilespmem:s20+$0x5420] =	vst v5;
	v3 =	vmul.f32 v3, v8  }
0x114: {  	[tilespmem:s20+$0x5430] =	vst v4;
	v2 =	vmul.f32 v2, v6  }
0x115: {  	[tilespmem:s20+$0x5440] =	vst v3;
	v1 =	vmul.f32 v1, v7  }
0x116: {  	[tilespmem:s20+$0x5450] =	vst v2;
	v0 =	vmul.f32 v0, v63  }
0x117: {  	[tilespmem:s20+$0x5460] =	vst v1  }
0x118: {  	[tilespmem:s20+$0x5470] =	vst v0  }
0x119: {  	[spmem:s5] =	stream.indirect.scatter.add.f32 [tilespmem:s10], [sflag:$0x7], $0x80, s3, s9, $0xb8;
	[tilespmem:$0x1DC80] =	vst v63  }
0x11a: {  	_ =	swait.ge [sflag:s26], $0x2800  }
0x11b: {  	[sflag:s26] =	ssyncset.done $0x0  }
0x11c: {  	[sflag:s26] =	ssyncadd.s32 $0xFFFFD800  }
.LBB2_13:
0x11d: {  	s11 =	simm.s32 @!p0 $0x1  }
0x11e: {  	_ =	swait.ge @!p0 [sflag:s11], $0x50  }
0x11f: {  	[sflag:s11] =	ssyncset.done @!p0 $0x0  }
0x120: {  	[sflag:s11] =	ssyncadd.s32 @!p0 $0xFFFFFFB0  }
0x121: {  	_ =	swait.ge @!p0 [sflag:s11], $0x50  }
0x122: {  	s21 =	simm.s32 @!p0 $0x0;
	s20 =	simm.s32 @!p0 $0x400;
	[sflag:s11] =	ssyncset.done @!p0 $0x0  }
0x123: {  	s24 =	smul.u32 @!p0 $0x50, s29;
	[sflag:s11] =	ssyncadd.s32 @!p0 $0xFFFFFFB0;
	s11 =	simm.s32 @!p0 $0x50  }
0x124: {  	[tilespmem:s20], [sflag:$0x5] =	stream.indirect.gather @!p0 [hbm4b:s0+s11], $0x80, s21, s11, $0xb8;
	[tilespmem:$0x1DC80] =	vst v63  }
0x125: {  	s11 =	sadd.s32 @!p0 s8, s24  }
0x126: {  	s11 =	sshll.u32 @!p0 s11, $0x4  }
0x127: {  	s24 =	simm.s32 @!p0 $0x5400;
	s20 =	smul.u32 @p1 $0x140, s18;
	s11 =	sadd.s32 @!p0 s7, s11  }
0x128: {  	[tilespmem:s24], [sflag:$0x5] =	stream.linear.gather @!p0 [hbm4b:s11+s21], $0x2800, $0x38;
	[tilespmem:$0x1DC80] =	vst v63  }
0x129: {  	s11 =	sadd.s32 @p1 s20, s22  }
.Ltmp10:
0x12a: {  	s11 =	sshrl.u32 @p1 s11, $0x3;
	(pc) =	sbr.rel @!p3 .LBB2_17-.Ltmp10, $4  }
0x12b: {  	s29 =	simm.s32 @p1 $0x0;
	s24 =	simm.s32 @p1 $0x100;
	s21 =	sadd.s32 @p1 s2, s11  }
0x12c: {  	[tilespmem:s24], [sflag:$0x3] =	stream.linear.gather @p1 [hbm4b:s21+s29], $0x50, $0x38;
	[tilespmem:$0x1DC80] =	vst v63  }
0x12d: {  	s11 =	sadd.s32 @p1 s4, s11;
	s21 =	simm.s32 @p1 $0x300  }
0x12e: {  	[tilespmem:s21], [sflag:$0x3] =	stream.linear.gather @p1 [hbm4b:s11+s29], $0x50, $0x38;
	[tilespmem:$0x1DC80] =	vst v63  }
0x12f: {  	_ =	swait.ge [sflag:s15], $0x2800  }
0x130: {  	[sflag:s15] =	ssyncset.done $0x0  }
0x131: {  	[sflag:s15] =	ssyncadd.s32 $0xFFFFD800  }
0x132: {  	_ =	swait.ge [sflag:s15], $0x2800  }
0x133: {  	[sflag:s15] =	ssyncset.done $0x0  }
0x134: {  	s21 =	simm.s32 $0x0;
	[sflag:s15] =	ssyncadd.s32 $0xFFFFD800  }
0x135: {  	v7 =	vld [tilespmem:s21+$0x2C00]  }
0x136: {  	v11 =	vld [tilespmem:s21+$0x2C10]  }
0x137: {  	v5 =	vld [tilespmem:s21+$0x2C20]  }
0x138: {  	v4 =	vld [tilespmem:s21+$0x2C30]  }
0x139: {  	v3 =	vld [tilespmem:s21+$0x2C40]  }
0x13a: {  	v2 =	vld [tilespmem:s21+$0x2C50]  }
0x13b: {  	v1 =	vld [tilespmem:s21+$0x2C60]  }
0x13c: {  	v0 =	vld [tilespmem:s21+$0x2C70]  }
0x13d: {  	v12 =	vld [tilespmem:s21+$0x7C00]  }
0x13e: {  	v13 =	vld [tilespmem:s21+$0x7C10]  }
0x13f: {  	v10 =	vld [tilespmem:s21+$0x7C20]  }
0x140: {  	v9 =	vld [tilespmem:s21+$0x7C30]  }
0x141: {  	v8 =	vld [tilespmem:s21+$0x7C40]  }
0x142: {  	v6 =	vld [tilespmem:s21+$0x7C50];
	v12 =	vmul.f32 v7, v12  }
0x143: {  	s24 =	simm.s32 $0x200;
	v11 =	vmul.f32 v11, v13;
	v7 =	vld [tilespmem:s21+$0x7C60]  }
.LBB2_15:
0x144: {  	s11 =	sshra.s32 s24, $0x2;
	p0 =	sne.s32 s24, $0x9E00;
	[tilespmem:s21+$0x7C00] =	vst v12;
	v5 =	vmul.f32 v5, v10;
	v10 =	vld [tilespmem:s21+$0x7C70]  }
0x145: {  	v12 =	vld [tilespmem:s11+$0x2C00];
	[tilespmem:s21+$0x7C10] =	vst v11;
	v4 =	vmul.f32 v4, v9  }
0x146: {  	v11 =	vld [tilespmem:s11+$0x2C10];
	[tilespmem:s21+$0x7C20] =	vst v5;
	v3 =	vmul.f32 v3, v8  }
0x147: {  	v5 =	vld [tilespmem:s11+$0x2C20];
	[tilespmem:s21+$0x7C30] =	vst v4;
	v2 =	vmul.f32 v2, v6  }
0x148: {  	v4 =	vld [tilespmem:s11+$0x2C30];
	[tilespmem:s21+$0x7C40] =	vst v3;
	v1 =	vmul.f32 v1, v7  }
0x149: {  	v3 =	vld [tilespmem:s11+$0x2C40];
	[tilespmem:s21+$0x7C50] =	vst v2;
	v0 =	vmul.f32 v0, v10  }
0x14a: {  	v2 =	vld [tilespmem:s11+$0x2C50];
	[tilespmem:s21+$0x7C60] =	vst v1  }
0x14b: {  	v1 =	vld [tilespmem:s11+$0x2C60];
	[tilespmem:s21+$0x7C70] =	vst v0;
	s21 =	smov.u32 s11  }
0x14c: {  	v0 =	vld [tilespmem:s21+$0x2C70]  }
0x14d: {  	v6 =	vld [tilespmem:s21+$0x7C00]  }
0x14e: {  	v7 =	vld [tilespmem:s21+$0x7C10]  }
.Ltmp11:
0x14f: {  	v10 =	vld [tilespmem:s21+$0x7C20];
	(pc) =	sbr.rel @p0 .LBB2_15-.Ltmp11, $4  }
0x150: {  	v9 =	vld [tilespmem:s21+$0x7C30]  }
0x151: {  	v8 =	vld [tilespmem:s21+$0x7C40]  }
0x152: {  	v12 =	vmul.f32 v12, v6;
	v6 =	vld [tilespmem:s21+$0x7C50]  }
0x153: {  	s24 =	sadd.s32 $0x200, s24;
	v11 =	vmul.f32 v11, v7;
	v7 =	vld [tilespmem:s21+$0x7C60]  }
0x154: {  	[tilespmem:s21+$0x7C00] =	vst v12;
	v5 =	vmul.f32 v5, v10;
	v63 =	vld [tilespmem:s21+$0x7C70]  }
0x155: {  	[tilespmem:s21+$0x7C10] =	vst v11;
	v4 =	vmul.f32 v4, v9  }
0x156: {  	[tilespmem:s21+$0x7C20] =	vst v5;
	v3 =	vmul.f32 v3, v8  }
0x157: {  	[tilespmem:s21+$0x7C30] =	vst v4;
	v2 =	vmul.f32 v2, v6  }
0x158: {  	[tilespmem:s21+$0x7C40] =	vst v3;
	v1 =	vmul.f32 v1, v7  }
0x159: {  	[tilespmem:s21+$0x7C50] =	vst v2;
	v0 =	vmul.f32 v0, v63  }
0x15a: {  	[tilespmem:s21+$0x7C60] =	vst v1  }
.Ltmp12:
0x15b: {  	[tilespmem:s21+$0x7C70] =	vst v0;
	(pc) =	sbr.rel .LBB2_17-.Ltmp12, $4  }
0x15c: {  	[spmem:s5] =	stream.indirect.scatter.add.f32 [tilespmem:s13], [sflag:$0x7], $0x80, s31, s9, $0xb8;
	[tilespmem:$0x1DC80] =	vst v63  }
0x15d: {  	_ =	swait.ge [sflag:s26], $0x2800  }
0x15e: {  	[sflag:s26] =	ssyncset.done $0x0  }
0x15f: {  	[sflag:s26] =	ssyncadd.s32 $0xFFFFD800  }
.LBB2_19:
0x160: {  	_ =	sfence.sel $0x180000  }
0x161: {  	[bflag:$0x0] =	sbarrier.arrive $0xFFFF  }
0x162: {  	_ =	strace $0x90000047  }
0x163: {  	s0 =	stileid.u32;
	[bflag:$0x2] =	sbarrier.arrive $0xFFFF  }
0x164: {  	p0 =	sne.s32 s0, $0x0;
	s0 =	rddreg [dreg:$0x5]  }
0x165: {  	s0 =	sadd.s32 @!p0 $0x100000, s0  }
0x166: {  	[sflag:s0] =	ssyncadd.tile.s32 @!p0 $0x1;
	_ =	shalt  }
.Lfunc_end2:
_tile_overlayer_lowered:
.L_overlay_start_2:
0x167: {  	(tag) =	ssettag $0x2  }
0x168: {  	s0 =	rddreg [dreg:$0x0];
	s2 =	stileid.u32  }
0x169: {  	s1 =	rddreg [dreg:$0x1];
	p0 =	sne.s32 s2, $0x0  }
0x16a: {  	s3 =	rddreg [dreg:$0x2];
	[bflag:$0x3] =	sbarrier.arrive $0xFFFF;
	s2 =	simm.s32 @!p0 $0x1C07  }
0x16b: {  	[timem:s3], [sflag:s2] =	dma.local @!p0 [hbm:s0], s1  }
0x16c: {  	s0 =	simm.s32 @!p0 $0x7  }
0x16d: {  	_ =	swait.ge @!p0 [sflag:s0], s1  }
0x16e: {  	s1 =	ssub.s32 @!p0 $0x0, s1;
	[sflag:s0] =	ssyncset.done @!p0 $0x0  }
0x16f: {  	[sflag:s0] =	ssyncadd.s32 @!p0 s1  }
0x170: {  	[bflag:$0x3] =	sbarrier.arrive $0xFFFF  }
0x171: {  	_ =	shalt  }

</sc_bundles>
